<compile_context>
chip_gen: v7x
topology: tpu7x:2x2x1
jax: 0.10.2.dev20260603
libtpu: 0.0.44.dev20260713+nightly
codegen_flags: <defaults>
</compile_context>

<pallas_src>
import functools

import jax
import jax.numpy as jnp
from jax import lax
from jax.experimental import pallas as pl
from jax.experimental.pallas import tpu as pltpu
from jax.experimental.pallas import tpu_sc as plsc

_SC_CHUNK = 32
_SC_NBUF = 4
_TC_CHUNK = 1024
_TC_NBUF = 4


def _sc_part(flat, rows, feature_dim, tc_rows):
    info = plsc.get_sparse_core_info()
    nw = info.num_cores * info.num_subcores
    rpw = (rows - tc_rows) // nw
    ch = _SC_CHUNK
    nchunks = rpw // ch
    mesh = plsc.VectorSubcoreMesh(core_axis_name="c", subcore_axis_name="s")

    scratch = (
        [pltpu.VMEM((ch, feature_dim), jnp.float32) for _ in range(_SC_NBUF)]
        + [pltpu.SemaphoreType.DMA for _ in range(2 * _SC_NBUF)]
    )

    @functools.partial(
        pl.kernel,
        out_type=jax.ShapeDtypeStruct((rows, feature_dim), flat.dtype),
        mesh=mesh,
        scratch_types=scratch,
    )
    def sc_copy(in_hbm, out_hbm, *bufs_and_sems):
        bufs = bufs_and_sems[:_SC_NBUF]
        gsems = bufs_and_sems[_SC_NBUF:2 * _SC_NBUF]
        ssems = bufs_and_sems[2 * _SC_NBUF:]
        wid = lax.axis_index("s") * info.num_cores + lax.axis_index("c")
        base = tc_rows + wid * rpw

        def gather(i):
            b = i % _SC_NBUF
            return pltpu.make_async_copy(
                in_hbm.at[pl.ds(base + i * ch, ch)], bufs[b], gsems[b])

        def scatter(i):
            b = i % _SC_NBUF
            return pltpu.make_async_copy(
                bufs[b], out_hbm.at[pl.ds(base + i * ch, ch)], ssems[b])

        for i in range(_SC_NBUF - 1):
            gather(i).start()
        for i in range(nchunks):
            gather(i).wait()
            scatter(i).start()
            nxt = i + _SC_NBUF - 1
            if nxt < nchunks:
                if nxt - _SC_NBUF >= 0:
                    scatter(nxt - _SC_NBUF).wait()
                gather(nxt).start()
        for i in range(max(0, nchunks - _SC_NBUF), nchunks):
            scatter(i).wait()

    return sc_copy(flat)


def _tc_body(tc_rows, x_ref, prev_ref, o_ref, *bufs_and_sems):
    del prev_ref
    bufs = bufs_and_sems[:_TC_NBUF]
    gsems = bufs_and_sems[_TC_NBUF]
    ssems = bufs_and_sems[_TC_NBUF + 1]
    nchunks = tc_rows // _TC_CHUNK

    def gather(i):
        b = i % _TC_NBUF
        return pltpu.make_async_copy(
            x_ref.at[pl.ds(i * _TC_CHUNK, _TC_CHUNK)], bufs[b], gsems.at[b])

    def scatter(i):
        b = i % _TC_NBUF
        return pltpu.make_async_copy(
            bufs[b], o_ref.at[pl.ds(i * _TC_CHUNK, _TC_CHUNK)], ssems.at[b])

    for i in range(_TC_NBUF - 1):
        gather(i).start()
    for i in range(nchunks):
        gather(i).wait()
        scatter(i).start()
        nxt = i + _TC_NBUF - 1
        if nxt < nchunks:
            if nxt - _TC_NBUF >= 0:
                scatter(nxt - _TC_NBUF).wait()
            gather(nxt).start()
    for i in range(max(0, nchunks - _TC_NBUF), nchunks):
        scatter(i).wait()


def kernel(images_batch, masks_batch):
    del masks_batch
    B, ve_dim, feature_dim = images_batch.shape
    rows = B * ve_dim
    tc_rows = rows // 2
    flat = images_batch.reshape(rows, feature_dim)

    partial = _sc_part(flat, rows, feature_dim, tc_rows)

    out = pl.pallas_call(
        functools.partial(_tc_body, tc_rows),
        in_specs=[pl.BlockSpec(memory_space=pl.ANY),
                  pl.BlockSpec(memory_space=pl.ANY)],
        out_specs=pl.BlockSpec(memory_space=pl.ANY),
        scratch_shapes=(
            [pltpu.VMEM((_TC_CHUNK, feature_dim), jnp.float32)
             for _ in range(_TC_NBUF)]
            + [pltpu.SemaphoreType.DMA((_TC_NBUF,)),
               pltpu.SemaphoreType.DMA((_TC_NBUF,))]
        ),
        out_shape=jax.ShapeDtypeStruct((rows, feature_dim), flat.dtype),
        input_output_aliases={1: 0},
    )(flat, partial)
    return out.reshape(B, ve_dim, feature_dim)

# --- scband reference (transcript-rebuilt; emitter-appended) ---
"""Pipeline reference for scband-mask-embedder-44667659878459 (READ-ONLY COPY).

The authoritative reference and input builder live on the scoring server;
editing this copy changes nothing except your own understanding.
"""

import jax, jax.numpy as jnp
import numpy as np

NUM_MASKS = 10


def _sliding_mask_indices(ve_dim, num_masks):
    # Faithful to create_sliding_masks: contiguous boolean patches over the
    # vision-encoder token dimension. Returned as static integer index arrays
    # so the boolean-mask gather image_features[mask] becomes jnp.take.
    patch_size = ve_dim // num_masks
    idx_list = []
    for i in range(num_masks):
        start = i * patch_size
        end = (i + 1) * patch_size if i < num_masks - 1 else ve_dim
        idx_list.append(np.arange(start, end, dtype=np.int32))
    return idx_list


def setup_inputs(seed: int = 0) -> dict:
    key = jax.random.key(seed)
    k1, k2 = jax.random.split(key)
    images_batch = jax.random.normal(k1, (16, 1024, 768), dtype=jnp.float32)
    # masks_batch is required by the signature but unused when
    # use_sliding_window=True (sliding masks are generated internally).
    masks_batch = jnp.zeros((16, 10, 16, 16), dtype=bool)
    return {"images_batch": images_batch, "masks_batch": masks_batch}


def reference(images_batch, masks_batch):
    # MaskEmbedder.apply_masks_with_tokens with use_sliding_window=True,
    # averaging=False, global_view=False, no_masktoken=True, image_filling=False,
    # mask_removing=False, mask_limiting=False.
    B, ve_dim, feature_dim = images_batch.shape
    idx_list = _sliding_mask_indices(ve_dim, NUM_MASKS)
    batched_features = []
    for i in range(B):
        image_features = images_batch[i]
        # masked_features = [image_features[mask] for mask in resized_image_masks]
        masked_features = [jnp.take(image_features, jnp.asarray(idx), axis=0) for idx in idx_list]
        batched_features.append(jnp.concatenate(masked_features, axis=0))
    return jnp.stack(batched_features, axis=0)

if __name__ == "__main__":
    import jax
    _d = setup_inputs()
    print(jax.jit(kernel)(*tuple(_d.values())))

</pallas_src>

<mosaic_0001>
#map = affine_map<(d0, d1) -> (0, 0)>
module attributes {stable_mosaic.version = 14 : i64} {
  func.func @sc_copy(%arg0: i32, %arg1: i32, %arg2: memref<16384x768xf32, #tpu.memory_space<hbm>>, %arg3: memref<16384x768xf32, #tpu.memory_space<hbm>>, %arg4: memref<32x768xf32, #tpu.memory_space<vmem>>, %arg5: memref<32x768xf32, #tpu.memory_space<vmem>>, %arg6: memref<32x768xf32, #tpu.memory_space<vmem>>, %arg7: memref<32x768xf32, #tpu.memory_space<vmem>>, %arg8: memref<!tpu.dma_semaphore, #tpu.memory_space<semaphore_mem>>, %arg9: memref<!tpu.dma_semaphore, #tpu.memory_space<semaphore_mem>>, %arg10: memref<!tpu.dma_semaphore, #tpu.memory_space<semaphore_mem>>, %arg11: memref<!tpu.dma_semaphore, #tpu.memory_space<semaphore_mem>>, %arg12: memref<!tpu.dma_semaphore, #tpu.memory_space<semaphore_mem>>, %arg13: memref<!tpu.dma_semaphore, #tpu.memory_space<semaphore_mem>>, %arg14: memref<!tpu.dma_semaphore, #tpu.memory_space<semaphore_mem>>, %arg15: memref<!tpu.dma_semaphore, #tpu.memory_space<semaphore_mem>>) attributes {dimension_semantics = [#tpu.dimension_semantics<core_parallel>, #tpu.dimension_semantics<subcore_parallel>], iteration_bounds = array<i64: 2, 16>, scalar_prefetch = 0 : i64, scratch_operands = 12 : i64, tpu.core_type = #tpu.core_type<sc_vector_subcore>, window_params = [{transform_indices = #map}, {transform_indices = #map}]} {
    %mul3A = arith.constant 2 : i32
    %mul3A_0 = arith.muli %arg1, %mul3A : i32
    %add3A = arith.addi %mul3A_0, %arg0 : i32
    %mul3A_1 = arith.constant 256 : i32
    %mul3A_2 = arith.muli %add3A, %mul3A_1 : i32
    %add3A_3 = arith.constant 8192 : i32
    %add3A_4 = arith.addi %add3A_3, %mul3A_2 : i32
    %add3A_5 = arith.constant 0 : i32
    %add3A_6 = arith.addi %add3A_4, %add3A_5 : i32
    %dma_start3A = arith.constant 0 : i32
    %dma_start3A_7 = tpu.memref_slice %arg2[%add3A_6, %dma_start3A] : memref<16384x768xf32, #tpu.memory_space<hbm>> -> memref<32x768xf32, #tpu.memory_space<hbm>>
    %dma_start3A_8 = arith.constant 0 : i32
    %dma_start3A_9 = tpu.memref_slice %arg2[%add3A_6, %dma_start3A_8] : memref<16384x768xf32, #tpu.memory_space<hbm>> -> memref<32x768xf32, #tpu.memory_space<hbm>>
    tpu.enqueue_dma source(%dma_start3A_9 : memref<32x768xf32, #tpu.memory_space<hbm>>) target(%arg4 : memref<32x768xf32, #tpu.memory_space<vmem>>) target_semaphore(%arg8 : memref<!tpu.dma_semaphore, #tpu.memory_space<semaphore_mem>>)
    %add3A_10 = arith.constant 32 : i32
    %add3A_11 = arith.addi %add3A_4, %add3A_10 : i32
    %dma_start3A_12 = arith.constant 0 : i32
    %dma_start3A_13 = tpu.memref_slice %arg2[%add3A_11, %dma_start3A_12] : memref<16384x768xf32, #tpu.memory_space<hbm>> -> memref<32x768xf32, #tpu.memory_space<hbm>>
    %dma_start3A_14 = arith.constant 0 : i32
    %dma_start3A_15 = tpu.memref_slice %arg2[%add3A_11, %dma_start3A_14] : memref<16384x768xf32, #tpu.memory_space<hbm>> -> memref<32x768xf32, #tpu.memory_space<hbm>>
    tpu.enqueue_dma source(%dma_start3A_15 : memref<32x768xf32, #tpu.memory_space<hbm>>) target(%arg5 : memref<32x768xf32, #tpu.memory_space<vmem>>) target_semaphore(%arg9 : memref<!tpu.dma_semaphore, #tpu.memory_space<semaphore_mem>>)
    %add3A_16 = arith.constant 64 : i32
    %add3A_17 = arith.addi %add3A_4, %add3A_16 : i32
    %dma_start3A_18 = arith.constant 0 : i32
    %dma_start3A_19 = tpu.memref_slice %arg2[%add3A_17, %dma_start3A_18] : memref<16384x768xf32, #tpu.memory_space<hbm>> -> memref<32x768xf32, #tpu.memory_space<hbm>>
    %dma_start3A_20 = arith.constant 0 : i32
    %dma_start3A_21 = tpu.memref_slice %arg2[%add3A_17, %dma_start3A_20] : memref<16384x768xf32, #tpu.memory_space<hbm>> -> memref<32x768xf32, #tpu.memory_space<hbm>>
    tpu.enqueue_dma source(%dma_start3A_21 : memref<32x768xf32, #tpu.memory_space<hbm>>) target(%arg6 : memref<32x768xf32, #tpu.memory_space<vmem>>) target_semaphore(%arg10 : memref<!tpu.dma_semaphore, #tpu.memory_space<semaphore_mem>>)
    %add3A_22 = arith.constant 0 : i32
    %add3A_23 = arith.addi %add3A_4, %add3A_22 : i32
    %dma_wait3A = arith.constant 0 : i32
    %dma_wait3A_24 = tpu.memref_slice %arg2[%add3A_23, %dma_wait3A] : memref<16384x768xf32, #tpu.memory_space<hbm>> -> memref<32x768xf32, #tpu.memory_space<hbm>>
    %dma_wait3A_25 = arith.constant 0 : i32
    %dma_wait3A_26 = tpu.memref_slice %arg2[%add3A_23, %dma_wait3A_25] : memref<16384x768xf32, #tpu.memory_space<hbm>> -> memref<32x768xf32, #tpu.memory_space<hbm>>
    tpu.wait_dma2 semaphore(%arg8 : memref<!tpu.dma_semaphore, #tpu.memory_space<semaphore_mem>>) src(%dma_wait3A_26 : memref<32x768xf32, #tpu.memory_space<hbm>>) dst(%arg4 : memref<32x768xf32, #tpu.memory_space<vmem>>)
    %add3A_27 = arith.constant 0 : i32
    %add3A_28 = arith.addi %add3A_4, %add3A_27 : i32
    %dma_start3A_29 = arith.constant 0 : i32
    %dma_start3A_30 = tpu.memref_slice %arg3[%add3A_28, %dma_start3A_29] : memref<16384x768xf32, #tpu.memory_space<hbm>> -> memref<32x768xf32, #tpu.memory_space<hbm>>
    %dma_start3A_31 = arith.constant 0 : i32
    %dma_start3A_32 = tpu.memref_slice %arg3[%add3A_28, %dma_start3A_31] : memref<16384x768xf32, #tpu.memory_space<hbm>> -> memref<32x768xf32, #tpu.memory_space<hbm>>
    tpu.enqueue_dma source(%arg4 : memref<32x768xf32, #tpu.memory_space<vmem>>) target(%dma_start3A_32 : memref<32x768xf32, #tpu.memory_space<hbm>>) target_semaphore(%arg12 : memref<!tpu.dma_semaphore, #tpu.memory_space<semaphore_mem>>)
    %add3A_33 = arith.constant 96 : i32
    %add3A_34 = arith.addi %add3A_4, %add3A_33 : i32
    %dma_start3A_35 = arith.constant 0 : i32
    %dma_start3A_36 = tpu.memref_slice %arg2[%add3A_34, %dma_start3A_35] : memref<16384x768xf32, #tpu.memory_space<hbm>> -> memref<32x768xf32, #tpu.memory_space<hbm>>
    %dma_start3A_37 = arith.constant 0 : i32
    %dma_start3A_38 = tpu.memref_slice %arg2[%add3A_34, %dma_start3A_37] : memref<16384x768xf32, #tpu.memory_space<hbm>> -> memref<32x768xf32, #tpu.memory_space<hbm>>
    tpu.enqueue_dma source(%dma_start3A_38 : memref<32x768xf32, #tpu.memory_space<hbm>>) target(%arg7 : memref<32x768xf32, #tpu.memory_space<vmem>>) target_semaphore(%arg11 : memref<!tpu.dma_semaphore, #tpu.memory_space<semaphore_mem>>)
    %add3A_39 = arith.constant 32 : i32
    %add3A_40 = arith.addi %add3A_4, %add3A_39 : i32
    %dma_wait3A_41 = arith.constant 0 : i32
    %dma_wait3A_42 = tpu.memref_slice %arg2[%add3A_40, %dma_wait3A_41] : memref<16384x768xf32, #tpu.memory_space<hbm>> -> memref<32x768xf32, #tpu.memory_space<hbm>>
    %dma_wait3A_43 = arith.constant 0 : i32
    %dma_wait3A_44 = tpu.memref_slice %arg2[%add3A_40, %dma_wait3A_43] : memref<16384x768xf32, #tpu.memory_space<hbm>> -> memref<32x768xf32, #tpu.memory_space<hbm>>
    tpu.wait_dma2 semaphore(%arg9 : memref<!tpu.dma_semaphore, #tpu.memory_space<semaphore_mem>>) src(%dma_wait3A_44 : memref<32x768xf32, #tpu.memory_space<hbm>>) dst(%arg5 : memref<32x768xf32, #tpu.memory_space<vmem>>)
    %add3A_45 = arith.constant 32 : i32
    %add3A_46 = arith.addi %add3A_4, %add3A_45 : i32
    %dma_start3A_47 = arith.constant 0 : i32
    %dma_start3A_48 = tpu.memref_slice %arg3[%add3A_46, %dma_start3A_47] : memref<16384x768xf32, #tpu.memory_space<hbm>> -> memref<32x768xf32, #tpu.memory_space<hbm>>
    %dma_start3A_49 = arith.constant 0 : i32
    %dma_start3A_50 = tpu.memref_slice %arg3[%add3A_46, %dma_start3A_49] : memref<16384x768xf32, #tpu.memory_space<hbm>> -> memref<32x768xf32, #tpu.memory_space<hbm>>
    tpu.enqueue_dma source(%arg5 : memref<32x768xf32, #tpu.memory_space<vmem>>) target(%dma_start3A_50 : memref<32x768xf32, #tpu.memory_space<hbm>>) target_semaphore(%arg13 : memref<!tpu.dma_semaphore, #tpu.memory_space<semaphore_mem>>)
    %add3A_51 = arith.constant 0 : i32
    %add3A_52 = arith.addi %add3A_4, %add3A_51 : i32
    %dma_wait3A_53 = arith.constant 0 : i32
    %dma_wait3A_54 = tpu.memref_slice %arg3[%add3A_52, %dma_wait3A_53] : memref<16384x768xf32, #tpu.memory_space<hbm>> -> memref<32x768xf32, #tpu.memory_space<hbm>>
    %dma_wait3A_55 = arith.constant 0 : i32
    %dma_wait3A_56 = tpu.memref_slice %arg3[%add3A_52, %dma_wait3A_55] : memref<16384x768xf32, #tpu.memory_space<hbm>> -> memref<32x768xf32, #tpu.memory_space<hbm>>
    tpu.wait_dma2 semaphore(%arg12 : memref<!tpu.dma_semaphore, #tpu.memory_space<semaphore_mem>>) src(%arg4 : memref<32x768xf32, #tpu.memory_space<vmem>>) dst(%dma_wait3A_56 : memref<32x768xf32, #tpu.memory_space<hbm>>)
    %add3A_57 = arith.constant 128 : i32
    %add3A_58 = arith.addi %add3A_4, %add3A_57 : i32
    %dma_start3A_59 = arith.constant 0 : i32
    %dma_start3A_60 = tpu.memref_slice %arg2[%add3A_58, %dma_start3A_59] : memref<16384x768xf32, #tpu.memory_space<hbm>> -> memref<32x768xf32, #tpu.memory_space<hbm>>
    %dma_start3A_61 = arith.constant 0 : i32
    %dma_start3A_62 = tpu.memref_slice %arg2[%add3A_58, %dma_start3A_61] : memref<16384x768xf32, #tpu.memory_space<hbm>> -> memref<32x768xf32, #tpu.memory_space<hbm>>
    tpu.enqueue_dma source(%dma_start3A_62 : memref<32x768xf32, #tpu.memory_space<hbm>>) target(%arg4 : memref<32x768xf32, #tpu.memory_space<vmem>>) target_semaphore(%arg8 : memref<!tpu.dma_semaphore, #tpu.memory_space<semaphore_mem>>)
    %add3A_63 = arith.constant 64 : i32
    %add3A_64 = arith.addi %add3A_4, %add3A_63 : i32
    %dma_wait3A_65 = arith.constant 0 : i32
    %dma_wait3A_66 = tpu.memref_slice %arg2[%add3A_64, %dma_wait3A_65] : memref<16384x768xf32, #tpu.memory_space<hbm>> -> memref<32x768xf32, #tpu.memory_space<hbm>>
    %dma_wait3A_67 = arith.constant 0 : i32
    %dma_wait3A_68 = tpu.memref_slice %arg2[%add3A_64, %dma_wait3A_67] : memref<16384x768xf32, #tpu.memory_space<hbm>> -> memref<32x768xf32, #tpu.memory_space<hbm>>
    tpu.wait_dma2 semaphore(%arg10 : memref<!tpu.dma_semaphore, #tpu.memory_space<semaphore_mem>>) src(%dma_wait3A_68 : memref<32x768xf32, #tpu.memory_space<hbm>>) dst(%arg6 : memref<32x768xf32, #tpu.memory_space<vmem>>)
    %add3A_69 = arith.constant 64 : i32
    %add3A_70 = arith.addi %add3A_4, %add3A_69 : i32
    %dma_start3A_71 = arith.constant 0 : i32
    %dma_start3A_72 = tpu.memref_slice %arg3[%add3A_70, %dma_start3A_71] : memref<16384x768xf32, #tpu.memory_space<hbm>> -> memref<32x768xf32, #tpu.memory_space<hbm>>
    %dma_start3A_73 = arith.constant 0 : i32
    %dma_start3A_74 = tpu.memref_slice %arg3[%add3A_70, %dma_start3A_73] : memref<16384x768xf32, #tpu.memory_space<hbm>> -> memref<32x768xf32, #tpu.memory_space<hbm>>
    tpu.enqueue_dma source(%arg6 : memref<32x768xf32, #tpu.memory_space<vmem>>) target(%dma_start3A_74 : memref<32x768xf32, #tpu.memory_space<hbm>>) target_semaphore(%arg14 : memref<!tpu.dma_semaphore, #tpu.memory_space<semaphore_mem>>)
    %add3A_75 = arith.constant 32 : i32
    %add3A_76 = arith.addi %add3A_4, %add3A_75 : i32
    %dma_wait3A_77 = arith.constant 0 : i32
    %dma_wait3A_78 = tpu.memref_slice %arg3[%add3A_76, %dma_wait3A_77] : memref<16384x768xf32, #tpu.memory_space<hbm>> -> memref<32x768xf32, #tpu.memory_space<hbm>>
    %dma_wait3A_79 = arith.constant 0 : i32
    %dma_wait3A_80 = tpu.memref_slice %arg3[%add3A_76, %dma_wait3A_79] : memref<16384x768xf32, #tpu.memory_space<hbm>> -> memref<32x768xf32, #tpu.memory_space<hbm>>
    tpu.wait_dma2 semaphore(%arg13 : memref<!tpu.dma_semaphore, #tpu.memory_space<semaphore_mem>>) src(%arg5 : memref<32x768xf32, #tpu.memory_space<vmem>>) dst(%dma_wait3A_80 : memref<32x768xf32, #tpu.memory_space<hbm>>)
    %add3A_81 = arith.constant 160 : i32
    %add3A_82 = arith.addi %add3A_4, %add3A_81 : i32
    %dma_start3A_83 = arith.constant 0 : i32
    %dma_start3A_84 = tpu.memref_slice %arg2[%add3A_82, %dma_start3A_83] : memref<16384x768xf32, #tpu.memory_space<hbm>> -> memref<32x768xf32, #tpu.memory_space<hbm>>
    %dma_start3A_85 = arith.constant 0 : i32
    %dma_start3A_86 = tpu.memref_slice %arg2[%add3A_82, %dma_start3A_85] : memref<16384x768xf32, #tpu.memory_space<hbm>> -> memref<32x768xf32, #tpu.memory_space<hbm>>
    tpu.enqueue_dma source(%dma_start3A_86 : memref<32x768xf32, #tpu.memory_space<hbm>>) target(%arg5 : memref<32x768xf32, #tpu.memory_space<vmem>>) target_semaphore(%arg9 : memref<!tpu.dma_semaphore, #tpu.memory_space<semaphore_mem>>)
    %add3A_87 = arith.constant 96 : i32
    %add3A_88 = arith.addi %add3A_4, %add3A_87 : i32
    %dma_wait3A_89 = arith.constant 0 : i32
    %dma_wait3A_90 = tpu.memref_slice %arg2[%add3A_88, %dma_wait3A_89] : memref<16384x768xf32, #tpu.memory_space<hbm>> -> memref<32x768xf32, #tpu.memory_space<hbm>>
    %dma_wait3A_91 = arith.constant 0 : i32
    %dma_wait3A_92 = tpu.memref_slice %arg2[%add3A_88, %dma_wait3A_91] : memref<16384x768xf32, #tpu.memory_space<hbm>> -> memref<32x768xf32, #tpu.memory_space<hbm>>
    tpu.wait_dma2 semaphore(%arg11 : memref<!tpu.dma_semaphore, #tpu.memory_space<semaphore_mem>>) src(%dma_wait3A_92 : memref<32x768xf32, #tpu.memory_space<hbm>>) dst(%arg7 : memref<32x768xf32, #tpu.memory_space<vmem>>)
    %add3A_93 = arith.constant 96 : i32
    %add3A_94 = arith.addi %add3A_4, %add3A_93 : i32
    %dma_start3A_95 = arith.constant 0 : i32
    %dma_start3A_96 = tpu.memref_slice %arg3[%add3A_94, %dma_start3A_95] : memref<16384x768xf32, #tpu.memory_space<hbm>> -> memref<32x768xf32, #tpu.memory_space<hbm>>
    %dma_start3A_97 = arith.constant 0 : i32
    %dma_start3A_98 = tpu.memref_slice %arg3[%add3A_94, %dma_start3A_97] : memref<16384x768xf32, #tpu.memory_space<hbm>> -> memref<32x768xf32, #tpu.memory_space<hbm>>
    tpu.enqueue_dma source(%arg7 : memref<32x768xf32, #tpu.memory_space<vmem>>) target(%dma_start3A_98 : memref<32x768xf32, #tpu.memory_space<hbm>>) target_semaphore(%arg15 : memref<!tpu.dma_semaphore, #tpu.memory_space<semaphore_mem>>)
    %add3A_99 = arith.constant 64 : i32
    %add3A_100 = arith.addi %add3A_4, %add3A_99 : i32
    %dma_wait3A_101 = arith.constant 0 : i32
    %dma_wait3A_102 = tpu.memref_slice %arg3[%add3A_100, %dma_wait3A_101] : memref<16384x768xf32, #tpu.memory_space<hbm>> -> memref<32x768xf32, #tpu.memory_space<hbm>>
    %dma_wait3A_103 = arith.constant 0 : i32
    %dma_wait3A_104 = tpu.memref_slice %arg3[%add3A_100, %dma_wait3A_103] : memref<16384x768xf32, #tpu.memory_space<hbm>> -> memref<32x768xf32, #tpu.memory_space<hbm>>
    tpu.wait_dma2 semaphore(%arg14 : memref<!tpu.dma_semaphore, #tpu.memory_space<semaphore_mem>>) src(%arg6 : memref<32x768xf32, #tpu.memory_space<vmem>>) dst(%dma_wait3A_104 : memref<32x768xf32, #tpu.memory_space<hbm>>)
    %add3A_105 = arith.constant 192 : i32
    %add3A_106 = arith.addi %add3A_4, %add3A_105 : i32
    %dma_start3A_107 = arith.constant 0 : i32
    %dma_start3A_108 = tpu.memref_slice %arg2[%add3A_106, %dma_start3A_107] : memref<16384x768xf32, #tpu.memory_space<hbm>> -> memref<32x768xf32, #tpu.memory_space<hbm>>
    %dma_start3A_109 = arith.constant 0 : i32
    %dma_start3A_110 = tpu.memref_slice %arg2[%add3A_106, %dma_start3A_109] : memref<16384x768xf32, #tpu.memory_space<hbm>> -> memref<32x768xf32, #tpu.memory_space<hbm>>
    tpu.enqueue_dma source(%dma_start3A_110 : memref<32x768xf32, #tpu.memory_space<hbm>>) target(%arg6 : memref<32x768xf32, #tpu.memory_space<vmem>>) target_semaphore(%arg10 : memref<!tpu.dma_semaphore, #tpu.memory_space<semaphore_mem>>)
    %add3A_111 = arith.constant 128 : i32
    %add3A_112 = arith.addi %add3A_4, %add3A_111 : i32
    %dma_wait3A_113 = arith.constant 0 : i32
    %dma_wait3A_114 = tpu.memref_slice %arg2[%add3A_112, %dma_wait3A_113] : memref<16384x768xf32, #tpu.memory_space<hbm>> -> memref<32x768xf32, #tpu.memory_space<hbm>>
    %dma_wait3A_115 = arith.constant 0 : i32
    %dma_wait3A_116 = tpu.memref_slice %arg2[%add3A_112, %dma_wait3A_115] : memref<16384x768xf32, #tpu.memory_space<hbm>> -> memref<32x768xf32, #tpu.memory_space<hbm>>
    tpu.wait_dma2 semaphore(%arg8 : memref<!tpu.dma_semaphore, #tpu.memory_space<semaphore_mem>>) src(%dma_wait3A_116 : memref<32x768xf32, #tpu.memory_space<hbm>>) dst(%arg4 : memref<32x768xf32, #tpu.memory_space<vmem>>)
    %add3A_117 = arith.constant 128 : i32
    %add3A_118 = arith.addi %add3A_4, %add3A_117 : i32
    %dma_start3A_119 = arith.constant 0 : i32
    %dma_start3A_120 = tpu.memref_slice %arg3[%add3A_118, %dma_start3A_119] : memref<16384x768xf32, #tpu.memory_space<hbm>> -> memref<32x768xf32, #tpu.memory_space<hbm>>
    %dma_start3A_121 = arith.constant 0 : i32
    %dma_start3A_122 = tpu.memref_slice %arg3[%add3A_118, %dma_start3A_121] : memref<16384x768xf32, #tpu.memory_space<hbm>> -> memref<32x768xf32, #tpu.memory_space<hbm>>
    tpu.enqueue_dma source(%arg4 : memref<32x768xf32, #tpu.memory_space<vmem>>) target(%dma_start3A_122 : memref<32x768xf32, #tpu.memory_space<hbm>>) target_semaphore(%arg12 : memref<!tpu.dma_semaphore, #tpu.memory_space<semaphore_mem>>)
    %add3A_123 = arith.constant 96 : i32
    %add3A_124 = arith.addi %add3A_4, %add3A_123 : i32
    %dma_wait3A_125 = arith.constant 0 : i32
    %dma_wait3A_126 = tpu.memref_slice %arg3[%add3A_124, %dma_wait3A_125] : memref<16384x768xf32, #tpu.memory_space<hbm>> -> memref<32x768xf32, #tpu.memory_space<hbm>>
    %dma_wait3A_127 = arith.constant 0 : i32
    %dma_wait3A_128 = tpu.memref_slice %arg3[%add3A_124, %dma_wait3A_127] : memref<16384x768xf32, #tpu.memory_space<hbm>> -> memref<32x768xf32, #tpu.memory_space<hbm>>
    tpu.wait_dma2 semaphore(%arg15 : memref<!tpu.dma_semaphore, #tpu.memory_space<semaphore_mem>>) src(%arg7 : memref<32x768xf32, #tpu.memory_space<vmem>>) dst(%dma_wait3A_128 : memref<32x768xf32, #tpu.memory_space<hbm>>)
    %add3A_129 = arith.constant 224 : i32
    %add3A_130 = arith.addi %add3A_4, %add3A_129 : i32
    %dma_start3A_131 = arith.constant 0 : i32
    %dma_start3A_132 = tpu.memref_slice %arg2[%add3A_130, %dma_start3A_131] : memref<16384x768xf32, #tpu.memory_space<hbm>> -> memref<32x768xf32, #tpu.memory_space<hbm>>
    %dma_start3A_133 = arith.constant 0 : i32
    %dma_start3A_134 = tpu.memref_slice %arg2[%add3A_130, %dma_start3A_133] : memref<16384x768xf32, #tpu.memory_space<hbm>> -> memref<32x768xf32, #tpu.memory_space<hbm>>
    tpu.enqueue_dma source(%dma_start3A_134 : memref<32x768xf32, #tpu.memory_space<hbm>>) target(%arg7 : memref<32x768xf32, #tpu.memory_space<vmem>>) target_semaphore(%arg11 : memref<!tpu.dma_semaphore, #tpu.memory_space<semaphore_mem>>)
    %add3A_135 = arith.constant 160 : i32
    %add3A_136 = arith.addi %add3A_4, %add3A_135 : i32
    %dma_wait3A_137 = arith.constant 0 : i32
    %dma_wait3A_138 = tpu.memref_slice %arg2[%add3A_136, %dma_wait3A_137] : memref<16384x768xf32, #tpu.memory_space<hbm>> -> memref<32x768xf32, #tpu.memory_space<hbm>>
    %dma_wait3A_139 = arith.constant 0 : i32
    %dma_wait3A_140 = tpu.memref_slice %arg2[%add3A_136, %dma_wait3A_139] : memref<16384x768xf32, #tpu.memory_space<hbm>> -> memref<32x768xf32, #tpu.memory_space<hbm>>
    tpu.wait_dma2 semaphore(%arg9 : memref<!tpu.dma_semaphore, #tpu.memory_space<semaphore_mem>>) src(%dma_wait3A_140 : memref<32x768xf32, #tpu.memory_space<hbm>>) dst(%arg5 : memref<32x768xf32, #tpu.memory_space<vmem>>)
    %add3A_141 = arith.constant 160 : i32
    %add3A_142 = arith.addi %add3A_4, %add3A_141 : i32
    %dma_start3A_143 = arith.constant 0 : i32
    %dma_start3A_144 = tpu.memref_slice %arg3[%add3A_142, %dma_start3A_143] : memref<16384x768xf32, #tpu.memory_space<hbm>> -> memref<32x768xf32, #tpu.memory_space<hbm>>
    %dma_start3A_145 = arith.constant 0 : i32
    %dma_start3A_146 = tpu.memref_slice %arg3[%add3A_142, %dma_start3A_145] : memref<16384x768xf32, #tpu.memory_space<hbm>> -> memref<32x768xf32, #tpu.memory_space<hbm>>
    tpu.enqueue_dma source(%arg5 : memref<32x768xf32, #tpu.memory_space<vmem>>) target(%dma_start3A_146 : memref<32x768xf32, #tpu.memory_space<hbm>>) target_semaphore(%arg13 : memref<!tpu.dma_semaphore, #tpu.memory_space<semaphore_mem>>)
    %add3A_147 = arith.constant 192 : i32
    %add3A_148 = arith.addi %add3A_4, %add3A_147 : i32
    %dma_wait3A_149 = arith.constant 0 : i32
    %dma_wait3A_150 = tpu.memref_slice %arg2[%add3A_148, %dma_wait3A_149] : memref<16384x768xf32, #tpu.memory_space<hbm>> -> memref<32x768xf32, #tpu.memory_space<hbm>>
    %dma_wait3A_151 = arith.constant 0 : i32
    %dma_wait3A_152 = tpu.memref_slice %arg2[%add3A_148, %dma_wait3A_151] : memref<16384x768xf32, #tpu.memory_space<hbm>> -> memref<32x768xf32, #tpu.memory_space<hbm>>
    tpu.wait_dma2 semaphore(%arg10 : memref<!tpu.dma_semaphore, #tpu.memory_space<semaphore_mem>>) src(%dma_wait3A_152 : memref<32x768xf32, #tpu.memory_space<hbm>>) dst(%arg6 : memref<32x768xf32, #tpu.memory_space<vmem>>)
    %add3A_153 = arith.constant 192 : i32
    %add3A_154 = arith.addi %add3A_4, %add3A_153 : i32
    %dma_start3A_155 = arith.constant 0 : i32
    %dma_start3A_156 = tpu.memref_slice %arg3[%add3A_154, %dma_start3A_155] : memref<16384x768xf32, #tpu.memory_space<hbm>> -> memref<32x768xf32, #tpu.memory_space<hbm>>
    %dma_start3A_157 = arith.constant 0 : i32
    %dma_start3A_158 = tpu.memref_slice %arg3[%add3A_154, %dma_start3A_157] : memref<16384x768xf32, #tpu.memory_space<hbm>> -> memref<32x768xf32, #tpu.memory_space<hbm>>
    tpu.enqueue_dma source(%arg6 : memref<32x768xf32, #tpu.memory_space<vmem>>) target(%dma_start3A_158 : memref<32x768xf32, #tpu.memory_space<hbm>>) target_semaphore(%arg14 : memref<!tpu.dma_semaphore, #tpu.memory_space<semaphore_mem>>)
    %add3A_159 = arith.constant 224 : i32
    %add3A_160 = arith.addi %add3A_4, %add3A_159 : i32
    %dma_wait3A_161 = arith.constant 0 : i32
    %dma_wait3A_162 = tpu.memref_slice %arg2[%add3A_160, %dma_wait3A_161] : memref<16384x768xf32, #tpu.memory_space<hbm>> -> memref<32x768xf32, #tpu.memory_space<hbm>>
    %dma_wait3A_163 = arith.constant 0 : i32
    %dma_wait3A_164 = tpu.memref_slice %arg2[%add3A_160, %dma_wait3A_163] : memref<16384x768xf32, #tpu.memory_space<hbm>> -> memref<32x768xf32, #tpu.memory_space<hbm>>
    tpu.wait_dma2 semaphore(%arg11 : memref<!tpu.dma_semaphore, #tpu.memory_space<semaphore_mem>>) src(%dma_wait3A_164 : memref<32x768xf32, #tpu.memory_space<hbm>>) dst(%arg7 : memref<32x768xf32, #tpu.memory_space<vmem>>)
    %add3A_165 = arith.constant 224 : i32
    %add3A_166 = arith.addi %add3A_4, %add3A_165 : i32
    %dma_start3A_167 = arith.constant 0 : i32
    %dma_start3A_168 = tpu.memref_slice %arg3[%add3A_166, %dma_start3A_167] : memref<16384x768xf32, #tpu.memory_space<hbm>> -> memref<32x768xf32, #tpu.memory_space<hbm>>
    %dma_start3A_169 = arith.constant 0 : i32
    %dma_start3A_170 = tpu.memref_slice %arg3[%add3A_166, %dma_start3A_169] : memref<16384x768xf32, #tpu.memory_space<hbm>> -> memref<32x768xf32, #tpu.memory_space<hbm>>
    tpu.enqueue_dma source(%arg7 : memref<32x768xf32, #tpu.memory_space<vmem>>) target(%dma_start3A_170 : memref<32x768xf32, #tpu.memory_space<hbm>>) target_semaphore(%arg15 : memref<!tpu.dma_semaphore, #tpu.memory_space<semaphore_mem>>)
    %add3A_171 = arith.constant 128 : i32
    %add3A_172 = arith.addi %add3A_4, %add3A_171 : i32
    %dma_wait3A_173 = arith.constant 0 : i32
    %dma_wait3A_174 = tpu.memref_slice %arg3[%add3A_172, %dma_wait3A_173] : memref<16384x768xf32, #tpu.memory_space<hbm>> -> memref<32x768xf32, #tpu.memory_space<hbm>>
    %dma_wait3A_175 = arith.constant 0 : i32
    %dma_wait3A_176 = tpu.memref_slice %arg3[%add3A_172, %dma_wait3A_175] : memref<16384x768xf32, #tpu.memory_space<hbm>> -> memref<32x768xf32, #tpu.memory_space<hbm>>
    tpu.wait_dma2 semaphore(%arg12 : memref<!tpu.dma_semaphore, #tpu.memory_space<semaphore_mem>>) src(%arg4 : memref<32x768xf32, #tpu.memory_space<vmem>>) dst(%dma_wait3A_176 : memref<32x768xf32, #tpu.memory_space<hbm>>)
    %add3A_177 = arith.constant 160 : i32
    %add3A_178 = arith.addi %add3A_4, %add3A_177 : i32
    %dma_wait3A_179 = arith.constant 0 : i32
    %dma_wait3A_180 = tpu.memref_slice %arg3[%add3A_178, %dma_wait3A_179] : memref<16384x768xf32, #tpu.memory_space<hbm>> -> memref<32x768xf32, #tpu.memory_space<hbm>>
    %dma_wait3A_181 = arith.constant 0 : i32
    %dma_wait3A_182 = tpu.memref_slice %arg3[%add3A_178, %dma_wait3A_181] : memref<16384x768xf32, #tpu.memory_space<hbm>> -> memref<32x768xf32, #tpu.memory_space<hbm>>
    tpu.wait_dma2 semaphore(%arg13 : memref<!tpu.dma_semaphore, #tpu.memory_space<semaphore_mem>>) src(%arg5 : memref<32x768xf32, #tpu.memory_space<vmem>>) dst(%dma_wait3A_182 : memref<32x768xf32, #tpu.memory_space<hbm>>)
    %add3A_183 = arith.constant 192 : i32
    %add3A_184 = arith.addi %add3A_4, %add3A_183 : i32
    %dma_wait3A_185 = arith.constant 0 : i32
    %dma_wait3A_186 = tpu.memref_slice %arg3[%add3A_184, %dma_wait3A_185] : memref<16384x768xf32, #tpu.memory_space<hbm>> -> memref<32x768xf32, #tpu.memory_space<hbm>>
    %dma_wait3A_187 = arith.constant 0 : i32
    %dma_wait3A_188 = tpu.memref_slice %arg3[%add3A_184, %dma_wait3A_187] : memref<16384x768xf32, #tpu.memory_space<hbm>> -> memref<32x768xf32, #tpu.memory_space<hbm>>
    tpu.wait_dma2 semaphore(%arg14 : memref<!tpu.dma_semaphore, #tpu.memory_space<semaphore_mem>>) src(%arg6 : memref<32x768xf32, #tpu.memory_space<vmem>>) dst(%dma_wait3A_188 : memref<32x768xf32, #tpu.memory_space<hbm>>)
    %add3A_189 = arith.constant 224 : i32
    %add3A_190 = arith.addi %add3A_4, %add3A_189 : i32
    %dma_wait3A_191 = arith.constant 0 : i32
    %dma_wait3A_192 = tpu.memref_slice %arg3[%add3A_190, %dma_wait3A_191] : memref<16384x768xf32, #tpu.memory_space<hbm>> -> memref<32x768xf32, #tpu.memory_space<hbm>>
    %dma_wait3A_193 = arith.constant 0 : i32
    %dma_wait3A_194 = tpu.memref_slice %arg3[%add3A_190, %dma_wait3A_193] : memref<16384x768xf32, #tpu.memory_space<hbm>> -> memref<32x768xf32, #tpu.memory_space<hbm>>
    tpu.wait_dma2 semaphore(%arg15 : memref<!tpu.dma_semaphore, #tpu.memory_space<semaphore_mem>>) src(%arg7 : memref<32x768xf32, #tpu.memory_space<vmem>>) dst(%dma_wait3A_194 : memref<32x768xf32, #tpu.memory_space<hbm>>)
    return
  }
}

module attributes {stable_mosaic.version = 14 : i64} {
  func.func @_tc_body(%arg0: memref<16384x768xf32, #tpu.memory_space<any>>, %arg1: memref<16384x768xf32, #tpu.memory_space<any>>, %arg2: memref<16384x768xf32, #tpu.memory_space<any>>, %arg3: memref<1024x768xf32, #tpu.memory_space<vmem>>, %arg4: memref<1024x768xf32, #tpu.memory_space<vmem>>, %arg5: memref<1024x768xf32, #tpu.memory_space<vmem>>, %arg6: memref<1024x768xf32, #tpu.memory_space<vmem>>, %arg7: memref<4x!tpu.dma_semaphore, #tpu.memory_space<semaphore_mem>>, %arg8: memref<4x!tpu.dma_semaphore, #tpu.memory_space<semaphore_mem>>) attributes {dimension_semantics = [], scalar_prefetch = 0 : i64, scratch_operands = 6 : i64, tpu.core_type = #tpu.core_type<tc>} {
    %dma_start3A = arith.constant 0 : i32
    %dma_start3A_0 = tpu.memref_slice %arg7[%dma_start3A] : memref<4x!tpu.dma_semaphore, #tpu.memory_space<semaphore_mem>> -> memref<1x!tpu.dma_semaphore, #tpu.memory_space<semaphore_mem>>
    %dma_start3A_1 = tpu.memref_squeeze %dma_start3A_0 : memref<1x!tpu.dma_semaphore, #tpu.memory_space<semaphore_mem>> -> memref<!tpu.dma_semaphore, #tpu.memory_space<semaphore_mem>>
    %dma_start3A_2 = arith.constant 0 : i32
    %dma_start3A_3 = arith.constant 0 : i32
    %dma_start3A_4 = tpu.memref_slice %arg0[%dma_start3A_2, %dma_start3A_3] : memref<16384x768xf32, #tpu.memory_space<any>> -> memref<1024x768xf32, #tpu.memory_space<any>>
    tpu.enqueue_dma source(%dma_start3A_4 : memref<1024x768xf32, #tpu.memory_space<any>>) target(%arg3 : memref<1024x768xf32, #tpu.memory_space<vmem>>) target_semaphore(%dma_start3A_1 : memref<!tpu.dma_semaphore, #tpu.memory_space<semaphore_mem>>)
    %dma_start3A_5 = arith.constant 1 : i32
    %dma_start3A_6 = tpu.memref_slice %arg7[%dma_start3A_5] : memref<4x!tpu.dma_semaphore, #tpu.memory_space<semaphore_mem>> -> memref<1x!tpu.dma_semaphore, #tpu.memory_space<semaphore_mem>>
    %dma_start3A_7 = tpu.memref_squeeze %dma_start3A_6 : memref<1x!tpu.dma_semaphore, #tpu.memory_space<semaphore_mem>> -> memref<!tpu.dma_semaphore, #tpu.memory_space<semaphore_mem>>
    %dma_start3A_8 = arith.constant 1024 : i32
    %dma_start3A_9 = arith.constant 0 : i32
    %dma_start3A_10 = tpu.memref_slice %arg0[%dma_start3A_8, %dma_start3A_9] : memref<16384x768xf32, #tpu.memory_space<any>> -> memref<1024x768xf32, #tpu.memory_space<any>>
    tpu.enqueue_dma source(%dma_start3A_10 : memref<1024x768xf32, #tpu.memory_space<any>>) target(%arg4 : memref<1024x768xf32, #tpu.memory_space<vmem>>) target_semaphore(%dma_start3A_7 : memref<!tpu.dma_semaphore, #tpu.memory_space<semaphore_mem>>)
    %dma_start3A_11 = arith.constant 2 : i32
    %dma_start3A_12 = tpu.memref_slice %arg7[%dma_start3A_11] : memref<4x!tpu.dma_semaphore, #tpu.memory_space<semaphore_mem>> -> memref<1x!tpu.dma_semaphore, #tpu.memory_space<semaphore_mem>>
    %dma_start3A_13 = tpu.memref_squeeze %dma_start3A_12 : memref<1x!tpu.dma_semaphore, #tpu.memory_space<semaphore_mem>> -> memref<!tpu.dma_semaphore, #tpu.memory_space<semaphore_mem>>
    %dma_start3A_14 = arith.constant 2048 : i32
    %dma_start3A_15 = arith.constant 0 : i32
    %dma_start3A_16 = tpu.memref_slice %arg0[%dma_start3A_14, %dma_start3A_15] : memref<16384x768xf32, #tpu.memory_space<any>> -> memref<1024x768xf32, #tpu.memory_space<any>>
    tpu.enqueue_dma source(%dma_start3A_16 : memref<1024x768xf32, #tpu.memory_space<any>>) target(%arg5 : memref<1024x768xf32, #tpu.memory_space<vmem>>) target_semaphore(%dma_start3A_13 : memref<!tpu.dma_semaphore, #tpu.memory_space<semaphore_mem>>)
    %dma_wait3A = arith.constant 0 : i32
    %dma_wait3A_17 = tpu.memref_slice %arg7[%dma_wait3A] : memref<4x!tpu.dma_semaphore, #tpu.memory_space<semaphore_mem>> -> memref<1x!tpu.dma_semaphore, #tpu.memory_space<semaphore_mem>>
    %dma_wait3A_18 = tpu.memref_squeeze %dma_wait3A_17 : memref<1x!tpu.dma_semaphore, #tpu.memory_space<semaphore_mem>> -> memref<!tpu.dma_semaphore, #tpu.memory_space<semaphore_mem>>
    %dma_wait3A_19 = arith.constant 0 : i32
    %dma_wait3A_20 = arith.constant 0 : i32
    %dma_wait3A_21 = tpu.memref_slice %arg0[%dma_wait3A_19, %dma_wait3A_20] : memref<16384x768xf32, #tpu.memory_space<any>> -> memref<1024x768xf32, #tpu.memory_space<any>>
    tpu.wait_dma2 semaphore(%dma_wait3A_18 : memref<!tpu.dma_semaphore, #tpu.memory_space<semaphore_mem>>) src(%dma_wait3A_21 : memref<1024x768xf32, #tpu.memory_space<any>>) dst(%arg3 : memref<1024x768xf32, #tpu.memory_space<vmem>>)
    %dma_start3A_22 = arith.constant 0 : i32
    %dma_start3A_23 = tpu.memref_slice %arg8[%dma_start3A_22] : memref<4x!tpu.dma_semaphore, #tpu.memory_space<semaphore_mem>> -> memref<1x!tpu.dma_semaphore, #tpu.memory_space<semaphore_mem>>
    %dma_start3A_24 = tpu.memref_squeeze %dma_start3A_23 : memref<1x!tpu.dma_semaphore, #tpu.memory_space<semaphore_mem>> -> memref<!tpu.dma_semaphore, #tpu.memory_space<semaphore_mem>>
    %dma_start3A_25 = arith.constant 0 : i32
    %dma_start3A_26 = arith.constant 0 : i32
    %dma_start3A_27 = tpu.memref_slice %arg2[%dma_start3A_25, %dma_start3A_26] : memref<16384x768xf32, #tpu.memory_space<any>> -> memref<1024x768xf32, #tpu.memory_space<any>>
    tpu.enqueue_dma source(%arg3 : memref<1024x768xf32, #tpu.memory_space<vmem>>) target(%dma_start3A_27 : memref<1024x768xf32, #tpu.memory_space<any>>) target_semaphore(%dma_start3A_24 : memref<!tpu.dma_semaphore, #tpu.memory_space<semaphore_mem>>)
    %dma_start3A_28 = arith.constant 3 : i32
    %dma_start3A_29 = tpu.memref_slice %arg7[%dma_start3A_28] : memref<4x!tpu.dma_semaphore, #tpu.memory_space<semaphore_mem>> -> memref<1x!tpu.dma_semaphore, #tpu.memory_space<semaphore_mem>>
    %dma_start3A_30 = tpu.memref_squeeze %dma_start3A_29 : memref<1x!tpu.dma_semaphore, #tpu.memory_space<semaphore_mem>> -> memref<!tpu.dma_semaphore, #tpu.memory_space<semaphore_mem>>
    %dma_start3A_31 = arith.constant 3072 : i32
    %dma_start3A_32 = arith.constant 0 : i32
    %dma_start3A_33 = tpu.memref_slice %arg0[%dma_start3A_31, %dma_start3A_32] : memref<16384x768xf32, #tpu.memory_space<any>> -> memref<1024x768xf32, #tpu.memory_space<any>>
    tpu.enqueue_dma source(%dma_start3A_33 : memref<1024x768xf32, #tpu.memory_space<any>>) target(%arg6 : memref<1024x768xf32, #tpu.memory_space<vmem>>) target_semaphore(%dma_start3A_30 : memref<!tpu.dma_semaphore, #tpu.memory_space<semaphore_mem>>)
    %dma_wait3A_34 = arith.constant 1 : i32
    %dma_wait3A_35 = tpu.memref_slice %arg7[%dma_wait3A_34] : memref<4x!tpu.dma_semaphore, #tpu.memory_space<semaphore_mem>> -> memref<1x!tpu.dma_semaphore, #tpu.memory_space<semaphore_mem>>
    %dma_wait3A_36 = tpu.memref_squeeze %dma_wait3A_35 : memref<1x!tpu.dma_semaphore, #tpu.memory_space<semaphore_mem>> -> memref<!tpu.dma_semaphore, #tpu.memory_space<semaphore_mem>>
    %dma_wait3A_37 = arith.constant 1024 : i32
    %dma_wait3A_38 = arith.constant 0 : i32
    %dma_wait3A_39 = tpu.memref_slice %arg0[%dma_wait3A_37, %dma_wait3A_38] : memref<16384x768xf32, #tpu.memory_space<any>> -> memref<1024x768xf32, #tpu.memory_space<any>>
    tpu.wait_dma2 semaphore(%dma_wait3A_36 : memref<!tpu.dma_semaphore, #tpu.memory_space<semaphore_mem>>) src(%dma_wait3A_39 : memref<1024x768xf32, #tpu.memory_space<any>>) dst(%arg4 : memref<1024x768xf32, #tpu.memory_space<vmem>>)
    %dma_start3A_40 = arith.constant 1 : i32
    %dma_start3A_41 = tpu.memref_slice %arg8[%dma_start3A_40] : memref<4x!tpu.dma_semaphore, #tpu.memory_space<semaphore_mem>> -> memref<1x!tpu.dma_semaphore, #tpu.memory_space<semaphore_mem>>
    %dma_start3A_42 = tpu.memref_squeeze %dma_start3A_41 : memref<1x!tpu.dma_semaphore, #tpu.memory_space<semaphore_mem>> -> memref<!tpu.dma_semaphore, #tpu.memory_space<semaphore_mem>>
    %dma_start3A_43 = arith.constant 1024 : i32
    %dma_start3A_44 = arith.constant 0 : i32
    %dma_start3A_45 = tpu.memref_slice %arg2[%dma_start3A_43, %dma_start3A_44] : memref<16384x768xf32, #tpu.memory_space<any>> -> memref<1024x768xf32, #tpu.memory_space<any>>
    tpu.enqueue_dma source(%arg4 : memref<1024x768xf32, #tpu.memory_space<vmem>>) target(%dma_start3A_45 : memref<1024x768xf32, #tpu.memory_space<any>>) target_semaphore(%dma_start3A_42 : memref<!tpu.dma_semaphore, #tpu.memory_space<semaphore_mem>>)
    %dma_wait3A_46 = arith.constant 0 : i32
    %dma_wait3A_47 = tpu.memref_slice %arg8[%dma_wait3A_46] : memref<4x!tpu.dma_semaphore, #tpu.memory_space<semaphore_mem>> -> memref<1x!tpu.dma_semaphore, #tpu.memory_space<semaphore_mem>>
    %dma_wait3A_48 = tpu.memref_squeeze %dma_wait3A_47 : memref<1x!tpu.dma_semaphore, #tpu.memory_space<semaphore_mem>> -> memref<!tpu.dma_semaphore, #tpu.memory_space<semaphore_mem>>
    %dma_wait3A_49 = arith.constant 0 : i32
    %dma_wait3A_50 = arith.constant 0 : i32
    %dma_wait3A_51 = tpu.memref_slice %arg2[%dma_wait3A_49, %dma_wait3A_50] : memref<16384x768xf32, #tpu.memory_space<any>> -> memref<1024x768xf32, #tpu.memory_space<any>>
    tpu.wait_dma2 semaphore(%dma_wait3A_48 : memref<!tpu.dma_semaphore, #tpu.memory_space<semaphore_mem>>) src(%arg3 : memref<1024x768xf32, #tpu.memory_space<vmem>>) dst(%dma_wait3A_51 : memref<1024x768xf32, #tpu.memory_space<any>>)
    %dma_start3A_52 = arith.constant 0 : i32
    %dma_start3A_53 = tpu.memref_slice %arg7[%dma_start3A_52] : memref<4x!tpu.dma_semaphore, #tpu.memory_space<semaphore_mem>> -> memref<1x!tpu.dma_semaphore, #tpu.memory_space<semaphore_mem>>
    %dma_start3A_54 = tpu.memref_squeeze %dma_start3A_53 : memref<1x!tpu.dma_semaphore, #tpu.memory_space<semaphore_mem>> -> memref<!tpu.dma_semaphore, #tpu.memory_space<semaphore_mem>>
    %dma_start3A_55 = arith.constant 4096 : i32
    %dma_start3A_56 = arith.constant 0 : i32
    %dma_start3A_57 = tpu.memref_slice %arg0[%dma_start3A_55, %dma_start3A_56] : memref<16384x768xf32, #tpu.memory_space<any>> -> memref<1024x768xf32, #tpu.memory_space<any>>
    tpu.enqueue_dma source(%dma_start3A_57 : memref<1024x768xf32, #tpu.memory_space<any>>) target(%arg3 : memref<1024x768xf32, #tpu.memory_space<vmem>>) target_semaphore(%dma_start3A_54 : memref<!tpu.dma_semaphore, #tpu.memory_space<semaphore_mem>>)
    %dma_wait3A_58 = arith.constant 2 : i32
    %dma_wait3A_59 = tpu.memref_slice %arg7[%dma_wait3A_58] : memref<4x!tpu.dma_semaphore, #tpu.memory_space<semaphore_mem>> -> memref<1x!tpu.dma_semaphore, #tpu.memory_space<semaphore_mem>>
    %dma_wait3A_60 = tpu.memref_squeeze %dma_wait3A_59 : memref<1x!tpu.dma_semaphore, #tpu.memory_space<semaphore_mem>> -> memref<!tpu.dma_semaphore, #tpu.memory_space<semaphore_mem>>
    %dma_wait3A_61 = arith.constant 2048 : i32
    %dma_wait3A_62 = arith.constant 0 : i32
    %dma_wait3A_63 = tpu.memref_slice %arg0[%dma_wait3A_61, %dma_wait3A_62] : memref<16384x768xf32, #tpu.memory_space<any>> -> memref<1024x768xf32, #tpu.memory_space<any>>
    tpu.wait_dma2 semaphore(%dma_wait3A_60 : memref<!tpu.dma_semaphore, #tpu.memory_space<semaphore_mem>>) src(%dma_wait3A_63 : memref<1024x768xf32, #tpu.memory_space<any>>) dst(%arg5 : memref<1024x768xf32, #tpu.memory_space<vmem>>)
    %dma_start3A_64 = arith.constant 2 : i32
    %dma_start3A_65 = tpu.memref_slice %arg8[%dma_start3A_64] : memref<4x!tpu.dma_semaphore, #tpu.memory_space<semaphore_mem>> -> memref<1x!tpu.dma_semaphore, #tpu.memory_space<semaphore_mem>>
    %dma_start3A_66 = tpu.memref_squeeze %dma_start3A_65 : memref<1x!tpu.dma_semaphore, #tpu.memory_space<semaphore_mem>> -> memref<!tpu.dma_semaphore, #tpu.memory_space<semaphore_mem>>
    %dma_start3A_67 = arith.constant 2048 : i32
    %dma_start3A_68 = arith.constant 0 : i32
    %dma_start3A_69 = tpu.memref_slice %arg2[%dma_start3A_67, %dma_start3A_68] : memref<16384x768xf32, #tpu.memory_space<any>> -> memref<1024x768xf32, #tpu.memory_space<any>>
    tpu.enqueue_dma source(%arg5 : memref<1024x768xf32, #tpu.memory_space<vmem>>) target(%dma_start3A_69 : memref<1024x768xf32, #tpu.memory_space<any>>) target_semaphore(%dma_start3A_66 : memref<!tpu.dma_semaphore, #tpu.memory_space<semaphore_mem>>)
    %dma_wait3A_70 = arith.constant 1 : i32
    %dma_wait3A_71 = tpu.memref_slice %arg8[%dma_wait3A_70] : memref<4x!tpu.dma_semaphore, #tpu.memory_space<semaphore_mem>> -> memref<1x!tpu.dma_semaphore, #tpu.memory_space<semaphore_mem>>
    %dma_wait3A_72 = tpu.memref_squeeze %dma_wait3A_71 : memref<1x!tpu.dma_semaphore, #tpu.memory_space<semaphore_mem>> -> memref<!tpu.dma_semaphore, #tpu.memory_space<semaphore_mem>>
    %dma_wait3A_73 = arith.constant 1024 : i32
    %dma_wait3A_74 = arith.constant 0 : i32
    %dma_wait3A_75 = tpu.memref_slice %arg2[%dma_wait3A_73, %dma_wait3A_74] : memref<16384x768xf32, #tpu.memory_space<any>> -> memref<1024x768xf32, #tpu.memory_space<any>>
    tpu.wait_dma2 semaphore(%dma_wait3A_72 : memref<!tpu.dma_semaphore, #tpu.memory_space<semaphore_mem>>) src(%arg4 : memref<1024x768xf32, #tpu.memory_space<vmem>>) dst(%dma_wait3A_75 : memref<1024x768xf32, #tpu.memory_space<any>>)
    %dma_start3A_76 = arith.constant 1 : i32
    %dma_start3A_77 = tpu.memref_slice %arg7[%dma_start3A_76] : memref<4x!tpu.dma_semaphore, #tpu.memory_space<semaphore_mem>> -> memref<1x!tpu.dma_semaphore, #tpu.memory_space<semaphore_mem>>
    %dma_start3A_78 = tpu.memref_squeeze %dma_start3A_77 : memref<1x!tpu.dma_semaphore, #tpu.memory_space<semaphore_mem>> -> memref<!tpu.dma_semaphore, #tpu.memory_space<semaphore_mem>>
    %dma_start3A_79 = arith.constant 5120 : i32
    %dma_start3A_80 = arith.constant 0 : i32
    %dma_start3A_81 = tpu.memref_slice %arg0[%dma_start3A_79, %dma_start3A_80] : memref<16384x768xf32, #tpu.memory_space<any>> -> memref<1024x768xf32, #tpu.memory_space<any>>
    tpu.enqueue_dma source(%dma_start3A_81 : memref<1024x768xf32, #tpu.memory_space<any>>) target(%arg4 : memref<1024x768xf32, #tpu.memory_space<vmem>>) target_semaphore(%dma_start3A_78 : memref<!tpu.dma_semaphore, #tpu.memory_space<semaphore_mem>>)
    %dma_wait3A_82 = arith.constant 3 : i32
    %dma_wait3A_83 = tpu.memref_slice %arg7[%dma_wait3A_82] : memref<4x!tpu.dma_semaphore, #tpu.memory_space<semaphore_mem>> -> memref<1x!tpu.dma_semaphore, #tpu.memory_space<semaphore_mem>>
    %dma_wait3A_84 = tpu.memref_squeeze %dma_wait3A_83 : memref<1x!tpu.dma_semaphore, #tpu.memory_space<semaphore_mem>> -> memref<!tpu.dma_semaphore, #tpu.memory_space<semaphore_mem>>
    %dma_wait3A_85 = arith.constant 3072 : i32
    %dma_wait3A_86 = arith.constant 0 : i32
    %dma_wait3A_87 = tpu.memref_slice %arg0[%dma_wait3A_85, %dma_wait3A_86] : memref<16384x768xf32, #tpu.memory_space<any>> -> memref<1024x768xf32, #tpu.memory_space<any>>
    tpu.wait_dma2 semaphore(%dma_wait3A_84 : memref<!tpu.dma_semaphore, #tpu.memory_space<semaphore_mem>>) src(%dma_wait3A_87 : memref<1024x768xf32, #tpu.memory_space<any>>) dst(%arg6 : memref<1024x768xf32, #tpu.memory_space<vmem>>)
    %dma_start3A_88 = arith.constant 3 : i32
    %dma_start3A_89 = tpu.memref_slice %arg8[%dma_start3A_88] : memref<4x!tpu.dma_semaphore, #tpu.memory_space<semaphore_mem>> -> memref<1x!tpu.dma_semaphore, #tpu.memory_space<semaphore_mem>>
    %dma_start3A_90 = tpu.memref_squeeze %dma_start3A_89 : memref<1x!tpu.dma_semaphore, #tpu.memory_space<semaphore_mem>> -> memref<!tpu.dma_semaphore, #tpu.memory_space<semaphore_mem>>
    %dma_start3A_91 = arith.constant 3072 : i32
    %dma_start3A_92 = arith.constant 0 : i32
    %dma_start3A_93 = tpu.memref_slice %arg2[%dma_start3A_91, %dma_start3A_92] : memref<16384x768xf32, #tpu.memory_space<any>> -> memref<1024x768xf32, #tpu.memory_space<any>>
    tpu.enqueue_dma source(%arg6 : memref<1024x768xf32, #tpu.memory_space<vmem>>) target(%dma_start3A_93 : memref<1024x768xf32, #tpu.memory_space<any>>) target_semaphore(%dma_start3A_90 : memref<!tpu.dma_semaphore, #tpu.memory_space<semaphore_mem>>)
    %dma_wait3A_94 = arith.constant 2 : i32
    %dma_wait3A_95 = tpu.memref_slice %arg8[%dma_wait3A_94] : memref<4x!tpu.dma_semaphore, #tpu.memory_space<semaphore_mem>> -> memref<1x!tpu.dma_semaphore, #tpu.memory_space<semaphore_mem>>
    %dma_wait3A_96 = tpu.memref_squeeze %dma_wait3A_95 : memref<1x!tpu.dma_semaphore, #tpu.memory_space<semaphore_mem>> -> memref<!tpu.dma_semaphore, #tpu.memory_space<semaphore_mem>>
    %dma_wait3A_97 = arith.constant 2048 : i32
    %dma_wait3A_98 = arith.constant 0 : i32
    %dma_wait3A_99 = tpu.memref_slice %arg2[%dma_wait3A_97, %dma_wait3A_98] : memref<16384x768xf32, #tpu.memory_space<any>> -> memref<1024x768xf32, #tpu.memory_space<any>>
    tpu.wait_dma2 semaphore(%dma_wait3A_96 : memref<!tpu.dma_semaphore, #tpu.memory_space<semaphore_mem>>) src(%arg5 : memref<1024x768xf32, #tpu.memory_space<vmem>>) dst(%dma_wait3A_99 : memref<1024x768xf32, #tpu.memory_space<any>>)
    %dma_start3A_100 = arith.constant 2 : i32
    %dma_start3A_101 = tpu.memref_slice %arg7[%dma_start3A_100] : memref<4x!tpu.dma_semaphore, #tpu.memory_space<semaphore_mem>> -> memref<1x!tpu.dma_semaphore, #tpu.memory_space<semaphore_mem>>
    %dma_start3A_102 = tpu.memref_squeeze %dma_start3A_101 : memref<1x!tpu.dma_semaphore, #tpu.memory_space<semaphore_mem>> -> memref<!tpu.dma_semaphore, #tpu.memory_space<semaphore_mem>>
    %dma_start3A_103 = arith.constant 6144 : i32
    %dma_start3A_104 = arith.constant 0 : i32
    %dma_start3A_105 = tpu.memref_slice %arg0[%dma_start3A_103, %dma_start3A_104] : memref<16384x768xf32, #tpu.memory_space<any>> -> memref<1024x768xf32, #tpu.memory_space<any>>
    tpu.enqueue_dma source(%dma_start3A_105 : memref<1024x768xf32, #tpu.memory_space<any>>) target(%arg5 : memref<1024x768xf32, #tpu.memory_space<vmem>>) target_semaphore(%dma_start3A_102 : memref<!tpu.dma_semaphore, #tpu.memory_space<semaphore_mem>>)
    %dma_wait3A_106 = arith.constant 0 : i32
    %dma_wait3A_107 = tpu.memref_slice %arg7[%dma_wait3A_106] : memref<4x!tpu.dma_semaphore, #tpu.memory_space<semaphore_mem>> -> memref<1x!tpu.dma_semaphore, #tpu.memory_space<semaphore_mem>>
    %dma_wait3A_108 = tpu.memref_squeeze %dma_wait3A_107 : memref<1x!tpu.dma_semaphore, #tpu.memory_space<semaphore_mem>> -> memref<!tpu.dma_semaphore, #tpu.memory_space<semaphore_mem>>
    %dma_wait3A_109 = arith.constant 4096 : i32
    %dma_wait3A_110 = arith.constant 0 : i32
    %dma_wait3A_111 = tpu.memref_slice %arg0[%dma_wait3A_109, %dma_wait3A_110] : memref<16384x768xf32, #tpu.memory_space<any>> -> memref<1024x768xf32, #tpu.memory_space<any>>
    tpu.wait_dma2 semaphore(%dma_wait3A_108 : memref<!tpu.dma_semaphore, #tpu.memory_space<semaphore_mem>>) src(%dma_wait3A_111 : memref<1024x768xf32, #tpu.memory_space<any>>) dst(%arg3 : memref<1024x768xf32, #tpu.memory_space<vmem>>)
    %dma_start3A_112 = arith.constant 0 : i32
    %dma_start3A_113 = tpu.memref_slice %arg8[%dma_start3A_112] : memref<4x!tpu.dma_semaphore, #tpu.memory_space<semaphore_mem>> -> memref<1x!tpu.dma_semaphore, #tpu.memory_space<semaphore_mem>>
    %dma_start3A_114 = tpu.memref_squeeze %dma_start3A_113 : memref<1x!tpu.dma_semaphore, #tpu.memory_space<semaphore_mem>> -> memref<!tpu.dma_semaphore, #tpu.memory_space<semaphore_mem>>
    %dma_start3A_115 = arith.constant 4096 : i32
    %dma_start3A_116 = arith.constant 0 : i32
    %dma_start3A_117 = tpu.memref_slice %arg2[%dma_start3A_115, %dma_start3A_116] : memref<16384x768xf32, #tpu.memory_space<any>> -> memref<1024x768xf32, #tpu.memory_space<any>>
    tpu.enqueue_dma source(%arg3 : memref<1024x768xf32, #tpu.memory_space<vmem>>) target(%dma_start3A_117 : memref<1024x768xf32, #tpu.memory_space<any>>) target_semaphore(%dma_start3A_114 : memref<!tpu.dma_semaphore, #tpu.memory_space<semaphore_mem>>)
    %dma_wait3A_118 = arith.constant 3 : i32
    %dma_wait3A_119 = tpu.memref_slice %arg8[%dma_wait3A_118] : memref<4x!tpu.dma_semaphore, #tpu.memory_space<semaphore_mem>> -> memref<1x!tpu.dma_semaphore, #tpu.memory_space<semaphore_mem>>
    %dma_wait3A_120 = tpu.memref_squeeze %dma_wait3A_119 : memref<1x!tpu.dma_semaphore, #tpu.memory_space<semaphore_mem>> -> memref<!tpu.dma_semaphore, #tpu.memory_space<semaphore_mem>>
    %dma_wait3A_121 = arith.constant 3072 : i32
    %dma_wait3A_122 = arith.constant 0 : i32
    %dma_wait3A_123 = tpu.memref_slice %arg2[%dma_wait3A_121, %dma_wait3A_122] : memref<16384x768xf32, #tpu.memory_space<any>> -> memref<1024x768xf32, #tpu.memory_space<any>>
    tpu.wait_dma2 semaphore(%dma_wait3A_120 : memref<!tpu.dma_semaphore, #tpu.memory_space<semaphore_mem>>) src(%arg6 : memref<1024x768xf32, #tpu.memory_space<vmem>>) dst(%dma_wait3A_123 : memref<1024x768xf32, #tpu.memory_space<any>>)
    %dma_start3A_124 = arith.constant 3 : i32
    %dma_start3A_125 = tpu.memref_slice %arg7[%dma_start3A_124] : memref<4x!tpu.dma_semaphore, #tpu.memory_space<semaphore_mem>> -> memref<1x!tpu.dma_semaphore, #tpu.memory_space<semaphore_mem>>
    %dma_start3A_126 = tpu.memref_squeeze %dma_start3A_125 : memref<1x!tpu.dma_semaphore, #tpu.memory_space<semaphore_mem>> -> memref<!tpu.dma_semaphore, #tpu.memory_space<semaphore_mem>>
    %dma_start3A_127 = arith.constant 7168 : i32
    %dma_start3A_128 = arith.constant 0 : i32
    %dma_start3A_129 = tpu.memref_slice %arg0[%dma_start3A_127, %dma_start3A_128] : memref<16384x768xf32, #tpu.memory_space<any>> -> memref<1024x768xf32, #tpu.memory_space<any>>
    tpu.enqueue_dma source(%dma_start3A_129 : memref<1024x768xf32, #tpu.memory_space<any>>) target(%arg6 : memref<1024x768xf32, #tpu.memory_space<vmem>>) target_semaphore(%dma_start3A_126 : memref<!tpu.dma_semaphore, #tpu.memory_space<semaphore_mem>>)
    %dma_wait3A_130 = arith.constant 1 : i32
    %dma_wait3A_131 = tpu.memref_slice %arg7[%dma_wait3A_130] : memref<4x!tpu.dma_semaphore, #tpu.memory_space<semaphore_mem>> -> memref<1x!tpu.dma_semaphore, #tpu.memory_space<semaphore_mem>>
    %dma_wait3A_132 = tpu.memref_squeeze %dma_wait3A_131 : memref<1x!tpu.dma_semaphore, #tpu.memory_space<semaphore_mem>> -> memref<!tpu.dma_semaphore, #tpu.memory_space<semaphore_mem>>
    %dma_wait3A_133 = arith.constant 5120 : i32
    %dma_wait3A_134 = arith.constant 0 : i32
    %dma_wait3A_135 = tpu.memref_slice %arg0[%dma_wait3A_133, %dma_wait3A_134] : memref<16384x768xf32, #tpu.memory_space<any>> -> memref<1024x768xf32, #tpu.memory_space<any>>
    tpu.wait_dma2 semaphore(%dma_wait3A_132 : memref<!tpu.dma_semaphore, #tpu.memory_space<semaphore_mem>>) src(%dma_wait3A_135 : memref<1024x768xf32, #tpu.memory_space<any>>) dst(%arg4 : memref<1024x768xf32, #tpu.memory_space<vmem>>)
    %dma_start3A_136 = arith.constant 1 : i32
    %dma_start3A_137 = tpu.memref_slice %arg8[%dma_start3A_136] : memref<4x!tpu.dma_semaphore, #tpu.memory_space<semaphore_mem>> -> memref<1x!tpu.dma_semaphore, #tpu.memory_space<semaphore_mem>>
    %dma_start3A_138 = tpu.memref_squeeze %dma_start3A_137 : memref<1x!tpu.dma_semaphore, #tpu.memory_space<semaphore_mem>> -> memref<!tpu.dma_semaphore, #tpu.memory_space<semaphore_mem>>
    %dma_start3A_139 = arith.constant 5120 : i32
    %dma_start3A_140 = arith.constant 0 : i32
    %dma_start3A_141 = tpu.memref_slice %arg2[%dma_start3A_139, %dma_start3A_140] : memref<16384x768xf32, #tpu.memory_space<any>> -> memref<1024x768xf32, #tpu.memory_space<any>>
    tpu.enqueue_dma source(%arg4 : memref<1024x768xf32, #tpu.memory_space<vmem>>) target(%dma_start3A_141 : memref<1024x768xf32, #tpu.memory_space<any>>) target_semaphore(%dma_start3A_138 : memref<!tpu.dma_semaphore, #tpu.memory_space<semaphore_mem>>)
    %dma_wait3A_142 = arith.constant 2 : i32
    %dma_wait3A_143 = tpu.memref_slice %arg7[%dma_wait3A_142] : memref<4x!tpu.dma_semaphore, #tpu.memory_space<semaphore_mem>> -> memref<1x!tpu.dma_semaphore, #tpu.memory_space<semaphore_mem>>
    %dma_wait3A_144 = tpu.memref_squeeze %dma_wait3A_143 : memref<1x!tpu.dma_semaphore, #tpu.memory_space<semaphore_mem>> -> memref<!tpu.dma_semaphore, #tpu.memory_space<semaphore_mem>>
    %dma_wait3A_145 = arith.constant 6144 : i32
    %dma_wait3A_146 = arith.constant 0 : i32
    %dma_wait3A_147 = tpu.memref_slice %arg0[%dma_wait3A_145, %dma_wait3A_146] : memref<16384x768xf32, #tpu.memory_space<any>> -> memref<1024x768xf32, #tpu.memory_space<any>>
    tpu.wait_dma2 semaphore(%dma_wait3A_144 : memref<!tpu.dma_semaphore, #tpu.memory_space<semaphore_mem>>) src(%dma_wait3A_147 : memref<1024x768xf32, #tpu.memory_space<any>>) dst(%arg5 : memref<1024x768xf32, #tpu.memory_space<vmem>>)
    %dma_start3A_148 = arith.constant 2 : i32
    %dma_start3A_149 = tpu.memref_slice %arg8[%dma_start3A_148] : memref<4x!tpu.dma_semaphore, #tpu.memory_space<semaphore_mem>> -> memref<1x!tpu.dma_semaphore, #tpu.memory_space<semaphore_mem>>
    %dma_start3A_150 = tpu.memref_squeeze %dma_start3A_149 : memref<1x!tpu.dma_semaphore, #tpu.memory_space<semaphore_mem>> -> memref<!tpu.dma_semaphore, #tpu.memory_space<semaphore_mem>>
    %dma_start3A_151 = arith.constant 6144 : i32
    %dma_start3A_152 = arith.constant 0 : i32
    %dma_start3A_153 = tpu.memref_slice %arg2[%dma_start3A_151, %dma_start3A_152] : memref<16384x768xf32, #tpu.memory_space<any>> -> memref<1024x768xf32, #tpu.memory_space<any>>
    tpu.enqueue_dma source(%arg5 : memref<1024x768xf32, #tpu.memory_space<vmem>>) target(%dma_start3A_153 : memref<1024x768xf32, #tpu.memory_space<any>>) target_semaphore(%dma_start3A_150 : memref<!tpu.dma_semaphore, #tpu.memory_space<semaphore_mem>>)
    %dma_wait3A_154 = arith.constant 3 : i32
    %dma_wait3A_155 = tpu.memref_slice %arg7[%dma_wait3A_154] : memref<4x!tpu.dma_semaphore, #tpu.memory_space<semaphore_mem>> -> memref<1x!tpu.dma_semaphore, #tpu.memory_space<semaphore_mem>>
    %dma_wait3A_156 = tpu.memref_squeeze %dma_wait3A_155 : memref<1x!tpu.dma_semaphore, #tpu.memory_space<semaphore_mem>> -> memref<!tpu.dma_semaphore, #tpu.memory_space<semaphore_mem>>
    %dma_wait3A_157 = arith.constant 7168 : i32
    %dma_wait3A_158 = arith.constant 0 : i32
    %dma_wait3A_159 = tpu.memref_slice %arg0[%dma_wait3A_157, %dma_wait3A_158] : memref<16384x768xf32, #tpu.memory_space<any>> -> memref<1024x768xf32, #tpu.memory_space<any>>
    tpu.wait_dma2 semaphore(%dma_wait3A_156 : memref<!tpu.dma_semaphore, #tpu.memory_space<semaphore_mem>>) src(%dma_wait3A_159 : memref<1024x768xf32, #tpu.memory_space<any>>) dst(%arg6 : memref<1024x768xf32, #tpu.memory_space<vmem>>)
    %dma_start3A_160 = arith.constant 3 : i32
    %dma_start3A_161 = tpu.memref_slice %arg8[%dma_start3A_160] : memref<4x!tpu.dma_semaphore, #tpu.memory_space<semaphore_mem>> -> memref<1x!tpu.dma_semaphore, #tpu.memory_space<semaphore_mem>>
    %dma_start3A_162 = tpu.memref_squeeze %dma_start3A_161 : memref<1x!tpu.dma_semaphore, #tpu.memory_space<semaphore_mem>> -> memref<!tpu.dma_semaphore, #tpu.memory_space<semaphore_mem>>
    %dma_start3A_163 = arith.constant 7168 : i32
    %dma_start3A_164 = arith.constant 0 : i32
    %dma_start3A_165 = tpu.memref_slice %arg2[%dma_start3A_163, %dma_start3A_164] : memref<16384x768xf32, #tpu.memory_space<any>> -> memref<1024x768xf32, #tpu.memory_space<any>>
    tpu.enqueue_dma source(%arg6 : memref<1024x768xf32, #tpu.memory_space<vmem>>) target(%dma_start3A_165 : memref<1024x768xf32, #tpu.memory_space<any>>) target_semaphore(%dma_start3A_162 : memref<!tpu.dma_semaphore, #tpu.memory_space<semaphore_mem>>)
    %dma_wait3A_166 = arith.constant 0 : i32
    %dma_wait3A_167 = tpu.memref_slice %arg8[%dma_wait3A_166] : memref<4x!tpu.dma_semaphore, #tpu.memory_space<semaphore_mem>> -> memref<1x!tpu.dma_semaphore, #tpu.memory_space<semaphore_mem>>
    %dma_wait3A_168 = tpu.memref_squeeze %dma_wait3A_167 : memref<1x!tpu.dma_semaphore, #tpu.memory_space<semaphore_mem>> -> memref<!tpu.dma_semaphore, #tpu.memory_space<semaphore_mem>>
    %dma_wait3A_169 = arith.constant 4096 : i32
    %dma_wait3A_170 = arith.constant 0 : i32
    %dma_wait3A_171 = tpu.memref_slice %arg2[%dma_wait3A_169, %dma_wait3A_170] : memref<16384x768xf32, #tpu.memory_space<any>> -> memref<1024x768xf32, #tpu.memory_space<any>>
    tpu.wait_dma2 semaphore(%dma_wait3A_168 : memref<!tpu.dma_semaphore, #tpu.memory_space<semaphore_mem>>) src(%arg3 : memref<1024x768xf32, #tpu.memory_space<vmem>>) dst(%dma_wait3A_171 : memref<1024x768xf32, #tpu.memory_space<any>>)
    %dma_wait3A_172 = arith.constant 1 : i32
    %dma_wait3A_173 = tpu.memref_slice %arg8[%dma_wait3A_172] : memref<4x!tpu.dma_semaphore, #tpu.memory_space<semaphore_mem>> -> memref<1x!tpu.dma_semaphore, #tpu.memory_space<semaphore_mem>>
    %dma_wait3A_174 = tpu.memref_squeeze %dma_wait3A_173 : memref<1x!tpu.dma_semaphore, #tpu.memory_space<semaphore_mem>> -> memref<!tpu.dma_semaphore, #tpu.memory_space<semaphore_mem>>
    %dma_wait3A_175 = arith.constant 5120 : i32
    %dma_wait3A_176 = arith.constant 0 : i32
    %dma_wait3A_177 = tpu.memref_slice %arg2[%dma_wait3A_175, %dma_wait3A_176] : memref<16384x768xf32, #tpu.memory_space<any>> -> memref<1024x768xf32, #tpu.memory_space<any>>
    tpu.wait_dma2 semaphore(%dma_wait3A_174 : memref<!tpu.dma_semaphore, #tpu.memory_space<semaphore_mem>>) src(%arg4 : memref<1024x768xf32, #tpu.memory_space<vmem>>) dst(%dma_wait3A_177 : memref<1024x768xf32, #tpu.memory_space<any>>)
    %dma_wait3A_178 = arith.constant 2 : i32
    %dma_wait3A_179 = tpu.memref_slice %arg8[%dma_wait3A_178] : memref<4x!tpu.dma_semaphore, #tpu.memory_space<semaphore_mem>> -> memref<1x!tpu.dma_semaphore, #tpu.memory_space<semaphore_mem>>
    %dma_wait3A_180 = tpu.memref_squeeze %dma_wait3A_179 : memref<1x!tpu.dma_semaphore, #tpu.memory_space<semaphore_mem>> -> memref<!tpu.dma_semaphore, #tpu.memory_space<semaphore_mem>>
    %dma_wait3A_181 = arith.constant 6144 : i32
    %dma_wait3A_182 = arith.constant 0 : i32
    %dma_wait3A_183 = tpu.memref_slice %arg2[%dma_wait3A_181, %dma_wait3A_182] : memref<16384x768xf32, #tpu.memory_space<any>> -> memref<1024x768xf32, #tpu.memory_space<any>>
    tpu.wait_dma2 semaphore(%dma_wait3A_180 : memref<!tpu.dma_semaphore, #tpu.memory_space<semaphore_mem>>) src(%arg5 : memref<1024x768xf32, #tpu.memory_space<vmem>>) dst(%dma_wait3A_183 : memref<1024x768xf32, #tpu.memory_space<any>>)
    %dma_wait3A_184 = arith.constant 3 : i32
    %dma_wait3A_185 = tpu.memref_slice %arg8[%dma_wait3A_184] : memref<4x!tpu.dma_semaphore, #tpu.memory_space<semaphore_mem>> -> memref<1x!tpu.dma_semaphore, #tpu.memory_space<semaphore_mem>>
    %dma_wait3A_186 = tpu.memref_squeeze %dma_wait3A_185 : memref<1x!tpu.dma_semaphore, #tpu.memory_space<semaphore_mem>> -> memref<!tpu.dma_semaphore, #tpu.memory_space<semaphore_mem>>
    %dma_wait3A_187 = arith.constant 7168 : i32
    %dma_wait3A_188 = arith.constant 0 : i32
    %dma_wait3A_189 = tpu.memref_slice %arg2[%dma_wait3A_187, %dma_wait3A_188] : memref<16384x768xf32, #tpu.memory_space<any>> -> memref<1024x768xf32, #tpu.memory_space<any>>
    tpu.wait_dma2 semaphore(%dma_wait3A_186 : memref<!tpu.dma_semaphore, #tpu.memory_space<semaphore_mem>>) src(%arg6 : memref<1024x768xf32, #tpu.memory_space<vmem>>) dst(%dma_wait3A_189 : memref<1024x768xf32, #tpu.memory_space<any>>)
    return
  }
}

</mosaic_0001>

<sc_bundles>
// kernel: kernel.4.cloned.1.call-start
scs
__scs_entry_jumppad:
0x0: {  	(pc) =	sbr.rel $0x88, $3  }
0x1: {  	(tag) =	ssettag $0x0;
	lr =	simm.s32 $0x1  }
0x2: {  	[smem:$0x3FA0] =	sst lr;
	_ =	strace $0xD0000000  }
0x3: {  	_ = 	snop  }
0x4: {  	_ = 	snop  }
0x5: {  	_ = 	snop  }
0x6: {  	_ = 	snop  }
0x7: {  	_ = 	snop  }
__scs_overlays_trampoline_lowered:
0x8: {  	[smem:$0x3FAF] =	sst s0  }
0x9: {  	[smem:$0x3FB0] =	sst s1  }
0xa: {  	[smem:$0x3FB1] =	sst s2  }
0xb: {  	[smem:$0x3FB2] =	sst s3  }
0xc: {  	[smem:$0x3FB3] =	sst s4  }
0xd: {  	[smem:$0x3FB4] =	sst s5  }
0xe: {  	[smem:$0x3FB5] =	sst s6  }
0xf: {  	[smem:$0x3FB6] =	sst s7  }
0x10: {  	[smem:$0x3FB7] =	sst s8  }
0x11: {  	[smem:$0x3FB8] =	sst s9;
	s0 =	simm.s32 @!p0 $0x0  }
0x12: {  	s1 =	sld [smem:$0x3F9E];
	s0 =	simm.s32 @p0 $0x1  }
0x13: {  	[smem:$0x3FB9] =	sst s0;
	s0 =	simm.s32 @!p1 $0x0  }
0x14: {  	s2 =	sld [smem:$0x3F9D];
	s0 =	simm.s32 @p1 $0x1  }
0x15: {  	[smem:$0x3FBA] =	sst s0;
	s0 =	simm.s32 @!p2 $0x0  }
0x16: {  	s3 =	sld [smem:$0x3FDB];
	s0 =	simm.s32 @p2 $0x1  }
0x17: {  	s4 =	simm.s32 $0x1BF5;
	[smem:$0x3FBC] =	sst s0  }
0x18: {  	s0 =	sld [smem:$0x3F9F];
	_ =	swait.ge [sflag:s4], $0x0  }
0x19: {  	s7 =	sld [smem:$0x3FA0]  }
0x1a: {  	s8 =	sadd.s32 $0xFFFFE003, lr  }
0x1b: {  	s9 =	sadd.s32 $0xFFFFFEF7, lr;
	s5 =	simm.s32 $0xFFFFFFFF;
	p2 =	slt.u32 s8, $0xFFFFF086  }
0x1c: {  	p1 =	slt.u32 s9, $0xF7A;
	s5 =	simm.s32 @!p2 $0x0  }
0x1d: {  	s5 =	simm.s32 @p1 $0x1;
	p0 =	seq.s32 s7, s2  }
0x1e: {  	s7 =	smul.u32 @!p0 $0xF7A, s2;
	p2 =	seq.s32 @!p0 s5, $0x0  }
0x1f: {  	s9 =	smul.u32 $0xF7A, s1;
	s8 =	simm.s32 @!p0 $0x1BF5;
	p2 =	por !p2, p0  }
0x20: {  	[sflag:s8] =	ssyncset.s32 @!p0 $0xFFFFF086;
	s6 =	sadd.s32 @!p0 s3, s7;
	s7 =	simm.s32 @!p0 $0x108  }
0x21: {  	s3 =	sadd.s32 s3, s9;
	s6 =	sadd.s32 @!p0 $0x88, s6;
	s7 =	simm.s32 @p2 $0x1082  }
0x22: {  	[simem:s7], [sflag:s8] =	dma.local @!p0 [hbm:s6], $0xF7A  }
0x23: {  	s9 =	sor.u32 $0xD0000000, s2;
	s6 =	simm.s32 $0x108;
	_ =	swait.ge @!p0 [sflag:s8], $0x0  }
0x24: {  	s3 =	sadd.s32 $0x88, s3;
	s6 =	simm.s32 @!p1 $0x1082;
	[sflag:s4] =	ssyncset.s32 $0xFFFFF086  }
0x25: {  	[simem:s6], [sflag:s4] =	dma.local [hbm:s3], $0xF7A  }
0x26: {  	[smem:$0x3FA0] =	sst s1;
	(tag) =	ssettag s2;
	_ =	strace s9  }
0x27: {  	s1 =	sld [smem:$0x3FB0]  }
0x28: {  	s2 =	sld [smem:$0x3FB1]  }
0x29: {  	s4 =	sld [smem:$0x3FB3]  }
0x2a: {  	p0 =	seq.s32 s5, $0x0;
	s5 =	sld [smem:$0x3FB4]  }
0x2b: {  	s6 =	sld [smem:$0x3FB5]  }
0x2c: {  	s7 =	sld [smem:$0x3FB6]  }
0x2d: {  	s3 =	simm.s32 $0x108;
	s8 =	sld [smem:$0x3FB7]  }
0x2e: {  	s3 =	simm.s32 @!p0 $0x1082;
	s9 =	sld [smem:$0x3FB8]  }
0x2f: {  	lr =	sadd.s32 s0, s3;
	s0 =	sld [smem:$0x3FAF]  }
0x30: {  	s3 =	sld [smem:$0x3FB2]  }
0x31: {  	[smem:$0x3FBB] =	sst s10  }
0x32: {  	s10 =	sld [smem:$0x3FB9];
	_ =	sdelay $0x3  }
0x33: {  	p0 =	seq.s32 s10, $0x1;
	s10 =	sld [smem:$0x3FBB];
	_ =	sdelay $0x3  }
0x34: {  	[smem:$0x3FBB] =	sst s10  }
0x35: {  	s10 =	sld [smem:$0x3FBA];
	_ =	sdelay $0x3  }
0x36: {  	p1 =	seq.s32 s10, $0x1;
	s10 =	sld [smem:$0x3FBB];
	_ =	sdelay $0x3  }
0x37: {  	[smem:$0x3FBB] =	sst s10  }
0x38: {  	s10 =	sld [smem:$0x3FBC]  }
0x39: {  	_ = 	snop;
	(pc) =	sbr.ind lr, $3  }
0x3a: {  	_ = 	snop  }
0x3b: {  	_ = 	snop  }
0x3c: {  	p2 =	seq.s32 s10, $0x1;
	s10 =	sld [smem:$0x3FBB]  }
0x3d: {  	_ =	shalt  }
0x3e: {  	_ =	shalt  }
0x3f: {  	_ =	shalt  }
0x40: {  	_ =	shalt  }
0x41: {  	_ =	shalt  }
0x42: {  	_ =	shalt  }
0x43: {  	_ =	shalt  }
0x44: {  	_ =	shalt  }
0x45: {  	_ =	shalt  }
0x46: {  	_ =	shalt  }
0x47: {  	_ =	shalt  }
0x48: {  	_ =	shalt  }
0x49: {  	_ =	shalt  }
0x4a: {  	_ =	shalt  }
0x4b: {  	_ =	shalt  }
0x4c: {  	_ =	shalt  }
0x4d: {  	_ =	shalt  }
0x4e: {  	_ =	shalt  }
0x4f: {  	_ =	shalt  }
0x50: {  	_ =	shalt  }
0x51: {  	_ =	shalt  }
0x52: {  	_ =	shalt  }
0x53: {  	_ =	shalt  }
0x54: {  	_ =	shalt  }
0x55: {  	_ =	shalt  }
0x56: {  	_ =	shalt  }
0x57: {  	_ =	shalt  }
0x58: {  	_ =	shalt  }
0x59: {  	_ =	shalt  }
0x5a: {  	_ =	shalt  }
0x5b: {  	_ =	shalt  }
0x5c: {  	_ =	shalt  }
0x5d: {  	_ =	shalt  }
0x5e: {  	_ =	shalt  }
0x5f: {  	_ =	shalt  }
0x60: {  	_ =	shalt  }
0x61: {  	_ =	shalt  }
0x62: {  	_ =	shalt  }
0x63: {  	_ =	shalt  }
0x64: {  	_ =	shalt  }
0x65: {  	_ =	shalt  }
0x66: {  	_ =	shalt  }
0x67: {  	_ =	shalt  }
0x68: {  	_ =	shalt  }
0x69: {  	_ =	shalt  }
0x6a: {  	_ =	shalt  }
0x6b: {  	_ =	shalt  }
0x6c: {  	_ =	shalt  }
0x6d: {  	_ =	shalt  }
0x6e: {  	_ =	shalt  }
0x6f: {  	_ =	shalt  }
0x70: {  	_ =	shalt  }
0x71: {  	_ =	shalt  }
0x72: {  	_ =	shalt  }
0x73: {  	_ =	shalt  }
0x74: {  	_ =	shalt  }
0x75: {  	_ =	shalt  }
0x76: {  	_ =	shalt  }
0x77: {  	_ =	shalt  }
0x78: {  	_ =	shalt  }
0x79: {  	_ =	shalt  }
0x7a: {  	_ =	shalt  }
0x7b: {  	_ =	shalt  }
0x7c: {  	_ =	shalt  }
0x7d: {  	_ =	shalt  }
0x7e: {  	_ =	shalt  }
0x7f: {  	_ =	shalt  }
0x80: {  	_ =	shalt  }
0x81: {  	_ =	shalt  }
0x82: {  	_ =	shalt  }
0x83: {  	_ =	shalt  }
0x84: {  	_ =	shalt  }
0x85: {  	_ =	shalt  }
0x86: {  	_ =	shalt  }
0x87: {  	_ =	shalt  }
.Lfunc_end0:
.L_simem_size_0:
called_computation_lowered:
.L_overlay_start_0:
0x88: {  	s2 =	sld [smem:$0x3FD9]  }
0x89: {  	s3 =	sld [smem:$0x3FFE];
	_ =	sdelay $0x1  }
0x8a: {  	s1 =	srdreg.scid  }
0x8b: {  	s0 =	sand.u32 $0x1, s1  }
0x8c: {  	s18 =	sshll.u32 s0, $0xA;
	s2 =	sadd.s32 s3, s2  }
0x8d: {  	s2 =	sadd.s32 s2, s18  }
0x8e: {  	[smem:$0x3FC7] =	sst s2  }
0x8f: {  	_ = 	snop  }
0x90: {  	s2 =	sld [smem:$0x3FC9]  }
0x91: {  	s19 =	sld [smem:$0x3FD0];
	(tm) =	ssettm $0x1  }
0x92: {  	s4 =	sld [smem:$0x3FFB];
	_ =	sdelay $0x3  }
0x93: {  	_ =	strace s4  }
0x94: {  	s4 =	sld [smem:$0x3FFC];
	_ =	sdelay $0x3  }
0x95: {  	_ =	strace s4  }
0x96: {  	s4 =	sld [smem:$0x3FFD];
	_ =	sdelay $0x3  }
0x97: {  	_ =	strace s4  }
0x98: {  	_ =	strace $0x8FFFFFFF  }
0x99: {  	s20 =	sld [smem:$0x3FDB];
	_ =	sdelay $0x1  }
0x9a: {  	s5 =	simm.s32 $_scs_section_size  }
0x9b: {  	s6 =	simm.s32 $_size__tile_overlayer_lowered;
	s7 =	simm.s32 $_tile_overlayer_lowered  }
0x9c: {  	s23 =	simm.s32 $0x1BFF;
	s22 =	sshll.u32 s7, $0x1;
	s4 =	sadd.s32 s5, s20  }
0x9d: {  	s8 =	simm.s32 $0x0;
	s21 =	sshll.u32 s6, $0x1;
	s6 =	sadd.s32 s22, s4  }
0x9e: {  	[timem:s8], [sflag:s23] =	dma.local [hbm:s6], s21  }
0x9f: {  	_ =	swait.ge [sflag:s23], s21  }
0xa0: {  	s5 =	ssub.s32 $0x0, s21;
	[sflag:s23] =	ssyncset.done $0x0  }
0xa1: {  	[sflag:s23] =	ssyncadd.s32 s5;
	_ =	sdelay $0x1  }
0xa2: {  	s24 =	simm.s32 $0x1B8B  }
0xa3: {  	_ =	swait.ge [sflag:s24], $0x1  }
0xa4: {  	[sflag:s24] =	ssyncset.done $0x0  }
0xa5: {  	s25 =	simm.s32 $0x1B8E;
	[sflag:s24] =	ssyncadd.s32 $0xFFFFFFFF  }
0xa6: {  	s26 =	simm.s32 $execute0_lowered;
	[smem:$0x3FD2] =	sst s25  }
0xa7: {  	s5 =	sshll.u32 s26, $0x1;
	_ =	strace $0x80000046;
	[dreg:$0x1] =	wrdreg $0xFFFFFFFF  }
0xa8: {  	s28 =	simm.s32 $_size_execute0_lowered;
	s4 =	sadd.s32 s4, s5;
	[dreg:$0x0] =	wrdreg $0x0  }
0xa9: {  	s5 =	sshll.u32 s28, $0x1;
	[dreg:$0x2] =	wrdreg s4  }
0xaa: {  	[dreg:$0x3] =	wrdreg s5  }
0xab: {  	[dreg:$0x4] =	wrdreg $0xC0  }
0xac: {  	_ =	task [dreg:s8], $0x5FFFF  }
0xad: {  	[dreg:$0x1] =	wrdreg $0xFFFFFFFF  }
0xae: {  	[dreg:$0x0] =	wrdreg $0x60  }
0xaf: {  	[dreg:$0x2] =	wrdreg s2  }
0xb0: {  	[dreg:$0x3] =	wrdreg s19  }
0xb1: {  	[dreg:$0x4] =	wrdreg $0x9  }
0xb2: {  	_ =	task.clear_ibuf [dreg:s8], $0x5FFFF;
	_ =	strace $0x90000046  }
0xb3: {  	s29 =	simm.s32 $0x9;
	_ =	strace $0x80000048  }
0xb4: {  	_ =	swait.ge [sflag:s29], $0x1  }
0xb5: {  	[sflag:s29] =	ssyncadd.s32 $0xFFFFFFFF  }
0xb6: {  	_ =	strace $0x90000048  }
0xb7: {  	_ =	sfence  }
0xb8: {  	s30 =	sld [smem:$0x0];
	_ =	sdelay $0x2  }
0xb9: {  	s31 =	sshll.u32 s1, $0xD;
	s1 =	sshrl.u32 s1, $0x2  }
0xba: {  	s3 =	sand.u32 $0x4000, s31;
	s1 =	sadd.s32 s1, s30  }
0xbb: {  	s0 =	sor.u32 s3, s0;
	s1 =	sshll.u32 s1, $0x11  }
0xbc: {  	s0 =	sor.u32 s1, s0  }
0xbd: {  	s0 =	sadd.s32 $0x8F2B, s0  }
0xbe: {  	[sflag:s0] =	ssyncadd.remote.s32 $0x1  }
0xbf: {  	_ =	sfence.sel $0xFFFF  }
0xc0: {  	[dreg:$0x0] =	wrdreg $0xFFFFFFFF;
	(pc) =	sbr.abs _section_cstart, $3  }
0xc1: {  	[dreg:$0x1] =	wrdreg $0xFFFFFFFF  }
0xc2: {  	_ =	task.clear_ibuf [dreg:s8], $0x2FFFF;
	_ =	strace $0x9FFFFFFF  }
0xc3: {  	(tm) =	ssettm $0x7FFFFFFF  }
tec
execute0_lowered:
.L_overlay_start_1:
0x0: {  	(tag) =	ssettag $0x1  }
0x1: {  	s1 =	srdreg.scid  }
0x2: {  	s0 =	stileid.u32;
	s31 =	sand.u32 $0x1, s1  }
0x3: {  	s25 =	sshll.u32 s0, $0x6;
	s2 =	sshll.u32 s31, $0x5  }
0x4: {  	s1 =	sor.u32 s2, s25  }
0x5: {  	s26 =	rddreg [dreg:$0x0];
	s28 =	smul.u32 $0x300, s1  }
0x6: {  	s30 =	rddreg [dreg:$0x1];
	s2 =	simm.s32 $0x0  }
0x7: {  	[smem:$0x7FF] =	sst s2;
	s9 =	sadd.s32 $0xC0000, s28  }
0x8: {  	_ =	strace $0x80000047;
	s13 =	sadd.s32 $0xC0C00, s28;
	s3 =	sadd.s32 s26, s9  }
0x9: {  	[tilespmem:s2], [sflag:$0x1] =	stream.linear.gather [hbm4b:s3+s2], $0x6000, $0x38;
	[tilespmem:$0x18000] =	vst v63  }
0xa: {  	s5 =	simm.s32 $0x6000;
	s17 =	sadd.s32 $0xC1800, s28;
	s4 =	sadd.s32 s26, s13  }
0xb: {  	[tilespmem:s5], [sflag:$0x2] =	stream.linear.gather [hbm4b:s4+s2], $0x6000, $0x38;
	[tilespmem:$0x18000] =	vst v63  }
0xc: {  	s7 =	simm.s32 $0xC000;
	s8 =	simm.s32 $0x1;
	s6 =	sadd.s32 s26, s17  }
0xd: {  	[tilespmem:s7], [sflag:$0x3] =	stream.linear.gather [hbm4b:s6+s2], $0x6000, $0x38;
	[tilespmem:$0x18000] =	vst v63  }
0xe: {  	_ =	swait.ge [sflag:s8], $0x6000  }
0xf: {  	[sflag:s8] =	ssyncset.done $0x0  }
0x10: {  	s21 =	sadd.s32 $0xC2400, s28;
	s9 =	sadd.s32 s30, s9;
	[sflag:s8] =	ssyncadd.s32 $0xFFFFA000  }
0x11: {  	[hbm4b:s9+s2] =	stream.linear.scatter [tilespmem:s2], [sflag:$0x5], $0x6000, $0x38;
	[tilespmem:$0x18000] =	vst v63  }
0x12: {  	s11 =	simm.s32 $0x12000;
	s12 =	simm.s32 $0x2;
	s10 =	sadd.s32 s26, s21  }
0x13: {  	[tilespmem:s11], [sflag:$0x4] =	stream.linear.gather [hbm4b:s10+s2], $0x6000, $0x38;
	[tilespmem:$0x18000] =	vst v63  }
0x14: {  	_ =	swait.ge [sflag:s12], $0x6000  }
0x15: {  	[sflag:s12] =	ssyncset.done $0x0  }
0x16: {  	s14 =	simm.s32 $0x5;
	s13 =	sadd.s32 s30, s13;
	[sflag:s12] =	ssyncadd.s32 $0xFFFFA000  }
0x17: {  	[hbm4b:s13+s2] =	stream.linear.scatter [tilespmem:s5], [sflag:$0x6], $0x6000, $0x38;
	[tilespmem:$0x18000] =	vst v63  }
0x18: {  	_ =	swait.ge [sflag:s14], $0x6000  }
0x19: {  	s24 =	sadd.s32 $0xC3000, s28;
	[sflag:s14] =	ssyncset.done $0x0  }
0x1a: {  	s16 =	simm.s32 $0x3;
	s15 =	sadd.s32 s26, s24;
	[sflag:s14] =	ssyncadd.s32 $0xFFFFA000  }
0x1b: {  	[tilespmem:s2], [sflag:$0x1] =	stream.linear.gather [hbm4b:s15+s2], $0x6000, $0x38;
	[tilespmem:$0x18000] =	vst v63  }
0x1c: {  	_ =	swait.ge [sflag:s16], $0x6000  }
0x1d: {  	[sflag:s16] =	ssyncset.done $0x0  }
0x1e: {  	s18 =	simm.s32 $0x6;
	s17 =	sadd.s32 s30, s17;
	[sflag:s16] =	ssyncadd.s32 $0xFFFFA000  }
0x1f: {  	[hbm4b:s17+s2] =	stream.linear.scatter [tilespmem:s7], [sflag:$0x7], $0x6000, $0x38;
	[tilespmem:$0x18000] =	vst v63  }
0x20: {  	_ =	swait.ge [sflag:s18], $0x6000  }
0x21: {  	s29 =	sadd.s32 $0xC3C00, s28;
	[sflag:s18] =	ssyncset.done $0x0  }
0x22: {  	s20 =	simm.s32 $0x4;
	s19 =	sadd.s32 s26, s29;
	[sflag:s18] =	ssyncadd.s32 $0xFFFFA000  }
0x23: {  	[tilespmem:s5], [sflag:$0x2] =	stream.linear.gather [hbm4b:s19+s2], $0x6000, $0x38;
	[tilespmem:$0x18000] =	vst v63  }
0x24: {  	_ =	swait.ge [sflag:s20], $0x6000  }
0x25: {  	[sflag:s20] =	ssyncset.done $0x0  }
0x26: {  	s22 =	simm.s32 $0x7;
	s21 =	sadd.s32 s30, s21;
	[sflag:s20] =	ssyncadd.s32 $0xFFFFA000  }
0x27: {  	[hbm4b:s21+s2] =	stream.linear.scatter [tilespmem:s11], [sflag:$0x8], $0x6000, $0x38;
	[tilespmem:$0x18000] =	vst v63  }
0x28: {  	_ =	swait.ge [sflag:s22], $0x6000  }
0x29: {  	s1 =	sadd.s32 $0xC4800, s28;
	[sflag:s22] =	ssyncset.done $0x0  }
0x2a: {  	s23 =	sadd.s32 s26, s1;
	[sflag:s22] =	ssyncadd.s32 $0xFFFFA000  }
0x2b: {  	[tilespmem:s7], [sflag:$0x3] =	stream.linear.gather [hbm4b:s23+s2], $0x6000, $0x38;
	[tilespmem:$0x18000] =	vst v63  }
0x2c: {  	_ =	swait.ge [sflag:s8], $0x6000  }
0x2d: {  	[sflag:s8] =	ssyncset.done $0x0  }
0x2e: {  	s25 =	simm.s32 $0x8;
	s24 =	sadd.s32 s30, s24;
	[sflag:s8] =	ssyncadd.s32 $0xFFFFA000  }
0x2f: {  	[hbm4b:s24+s2] =	stream.linear.scatter [tilespmem:s2], [sflag:$0x5], $0x6000, $0x38;
	[tilespmem:$0x18000] =	vst v63  }
0x30: {  	_ =	swait.ge [sflag:s25], $0x6000  }
0x31: {  	s0 =	sadd.s32 $0xC5400, s28;
	[sflag:s25] =	ssyncset.done $0x0  }
0x32: {  	s26 =	sadd.s32 s26, s0;
	[sflag:s25] =	ssyncadd.s32 $0xFFFFA000  }
0x33: {  	[tilespmem:s11], [sflag:$0x4] =	stream.linear.gather [hbm4b:s26+s2], $0x6000, $0x38;
	[tilespmem:$0x18000] =	vst v63  }
0x34: {  	_ =	swait.ge [sflag:s12], $0x6000  }
0x35: {  	[sflag:s12] =	ssyncset.done $0x0  }
0x36: {  	s28 =	sadd.s32 s30, s29;
	[sflag:s12] =	ssyncadd.s32 $0xFFFFA000  }
0x37: {  	[hbm4b:s28+s2] =	stream.linear.scatter [tilespmem:s5], [sflag:$0x6], $0x6000, $0x38;
	[tilespmem:$0x18000] =	vst v63  }
0x38: {  	_ =	swait.ge [sflag:s16], $0x6000  }
0x39: {  	[sflag:s16] =	ssyncset.done $0x0  }
0x3a: {  	s29 =	sadd.s32 s30, s1;
	[sflag:s16] =	ssyncadd.s32 $0xFFFFA000  }
0x3b: {  	[hbm4b:s29+s2] =	stream.linear.scatter [tilespmem:s7], [sflag:$0x7], $0x6000, $0x38;
	[tilespmem:$0x18000] =	vst v63  }
0x3c: {  	_ =	swait.ge [sflag:s20], $0x6000  }
0x3d: {  	[sflag:s20] =	ssyncset.done $0x0  }
0x3e: {  	s30 =	sadd.s32 s30, s0;
	[sflag:s20] =	ssyncadd.s32 $0xFFFFA000  }
0x3f: {  	[hbm4b:s30+s2] =	stream.linear.scatter [tilespmem:s11], [sflag:$0x8], $0x6000, $0x38;
	[tilespmem:$0x18000] =	vst v63  }
0x40: {  	_ =	swait.ge [sflag:s14], $0x6000  }
0x41: {  	s0 =	ssub.s32 $0x2, s31;
	[sflag:s14] =	ssyncset.done $0x0  }
0x42: {  	s1 =	sshrl.u32 s0, $0x1;
	[sflag:s14] =	ssyncadd.s32 $0xFFFFA000  }
0x43: {  	s0 =	ssub.s32 s0, s1;
	_ =	swait.ge [sflag:s18], $0x6000  }
0x44: {  	s0 =	smax.u32 s0, $0x1;
	[sflag:s18] =	ssyncset.done $0x0  }
0x45: {  	p0 =	sne.s32 s0, $0x1;
	[sflag:s18] =	ssyncadd.s32 $0xFFFFA000  }
.Ltmp0:
0x46: {  	_ =	swait.ge [sflag:s22], $0x6000;
	(pc) =	sbr.rel @!p0 .LBB2_2-.Ltmp0, $4  }
0x47: {  	[sflag:s22] =	ssyncset.done $0x0  }
0x48: {  	[sflag:s22] =	ssyncadd.s32 $0xFFFFA000  }
0x49: {  	_ =	swait.ge [sflag:s25], $0x6000  }
0x4a: {  	s31 =	sadd.s32 $0xFFFFFFFF, s0;
	[sflag:s25] =	ssyncset.done $0x0  }
.LBB2_1:
0x4b: {  	p0 =	sne.s32 s31, $0x1;
	s31 =	sadd.s32 $0xFFFFFFFF, s31;
	[sflag:s25] =	ssyncadd.s32 $0xFFFFA000  }
0x4c: {  	[tilespmem:s2], [sflag:$0x1] =	stream.linear.gather [hbm4b:s3+s2], $0x6000, $0x38;
	[tilespmem:$0x18000] =	vst v63  }
0x4d: {  	_ = 	snop  }
0x4e: {  	[tilespmem:s5], [sflag:$0x2] =	stream.linear.gather [hbm4b:s4+s2], $0x6000, $0x38;
	[tilespmem:$0x18000] =	vst v63  }
0x4f: {  	_ = 	snop  }
0x50: {  	[tilespmem:s7], [sflag:$0x3] =	stream.linear.gather [hbm4b:s6+s2], $0x6000, $0x38;
	[tilespmem:$0x18000] =	vst v63  }
0x51: {  	_ =	swait.ge [sflag:s8], $0x6000  }
0x52: {  	[sflag:s8] =	ssyncset.done $0x0  }
0x53: {  	[sflag:s8] =	ssyncadd.s32 $0xFFFFA000  }
0x54: {  	[hbm4b:s9+s2] =	stream.linear.scatter [tilespmem:s2], [sflag:$0x5], $0x6000, $0x38;
	[tilespmem:$0x18000] =	vst v63  }
0x55: {  	_ = 	snop  }
0x56: {  	[tilespmem:s11], [sflag:$0x4] =	stream.linear.gather [hbm4b:s10+s2], $0x6000, $0x38;
	[tilespmem:$0x18000] =	vst v63  }
0x57: {  	_ =	swait.ge [sflag:s12], $0x6000  }
0x58: {  	[sflag:s12] =	ssyncset.done $0x0  }
0x59: {  	[sflag:s12] =	ssyncadd.s32 $0xFFFFA000  }
0x5a: {  	[hbm4b:s13+s2] =	stream.linear.scatter [tilespmem:s5], [sflag:$0x6], $0x6000, $0x38;
	[tilespmem:$0x18000] =	vst v63  }
0x5b: {  	_ =	swait.ge [sflag:s14], $0x6000  }
0x5c: {  	[sflag:s14] =	ssyncset.done $0x0  }
0x5d: {  	[sflag:s14] =	ssyncadd.s32 $0xFFFFA000  }
0x5e: {  	[tilespmem:s2], [sflag:$0x1] =	stream.linear.gather [hbm4b:s15+s2], $0x6000, $0x38;
	[tilespmem:$0x18000] =	vst v63  }
0x5f: {  	_ =	swait.ge [sflag:s16], $0x6000  }
0x60: {  	[sflag:s16] =	ssyncset.done $0x0  }
0x61: {  	[sflag:s16] =	ssyncadd.s32 $0xFFFFA000  }
0x62: {  	[hbm4b:s17+s2] =	stream.linear.scatter [tilespmem:s7], [sflag:$0x7], $0x6000, $0x38;
	[tilespmem:$0x18000] =	vst v63  }
0x63: {  	_ =	swait.ge [sflag:s18], $0x6000  }
0x64: {  	[sflag:s18] =	ssyncset.done $0x0  }
0x65: {  	[sflag:s18] =	ssyncadd.s32 $0xFFFFA000  }
0x66: {  	[tilespmem:s5], [sflag:$0x2] =	stream.linear.gather [hbm4b:s19+s2], $0x6000, $0x38;
	[tilespmem:$0x18000] =	vst v63  }
0x67: {  	_ =	swait.ge [sflag:s20], $0x6000  }
0x68: {  	[sflag:s20] =	ssyncset.done $0x0  }
0x69: {  	[sflag:s20] =	ssyncadd.s32 $0xFFFFA000  }
0x6a: {  	[hbm4b:s21+s2] =	stream.linear.scatter [tilespmem:s11], [sflag:$0x8], $0x6000, $0x38;
	[tilespmem:$0x18000] =	vst v63  }
0x6b: {  	_ =	swait.ge [sflag:s22], $0x6000  }
0x6c: {  	[sflag:s22] =	ssyncset.done $0x0  }
0x6d: {  	[sflag:s22] =	ssyncadd.s32 $0xFFFFA000  }
0x6e: {  	[tilespmem:s7], [sflag:$0x3] =	stream.linear.gather [hbm4b:s23+s2], $0x6000, $0x38;
	[tilespmem:$0x18000] =	vst v63  }
0x6f: {  	_ =	swait.ge [sflag:s8], $0x6000  }
0x70: {  	[sflag:s8] =	ssyncset.done $0x0  }
0x71: {  	[sflag:s8] =	ssyncadd.s32 $0xFFFFA000  }
0x72: {  	[hbm4b:s24+s2] =	stream.linear.scatter [tilespmem:s2], [sflag:$0x5], $0x6000, $0x38;
	[tilespmem:$0x18000] =	vst v63  }
0x73: {  	_ =	swait.ge [sflag:s25], $0x6000  }
0x74: {  	[sflag:s25] =	ssyncset.done $0x0  }
0x75: {  	[sflag:s25] =	ssyncadd.s32 $0xFFFFA000  }
0x76: {  	[tilespmem:s11], [sflag:$0x4] =	stream.linear.gather [hbm4b:s26+s2], $0x6000, $0x38;
	[tilespmem:$0x18000] =	vst v63  }
0x77: {  	_ =	swait.ge [sflag:s12], $0x6000  }
0x78: {  	[sflag:s12] =	ssyncset.done $0x0  }
0x79: {  	[sflag:s12] =	ssyncadd.s32 $0xFFFFA000  }
0x7a: {  	[hbm4b:s28+s2] =	stream.linear.scatter [tilespmem:s5], [sflag:$0x6], $0x6000, $0x38;
	[tilespmem:$0x18000] =	vst v63  }
0x7b: {  	_ =	swait.ge [sflag:s16], $0x6000  }
0x7c: {  	[sflag:s16] =	ssyncset.done $0x0  }
0x7d: {  	[sflag:s16] =	ssyncadd.s32 $0xFFFFA000  }
0x7e: {  	[hbm4b:s29+s2] =	stream.linear.scatter [tilespmem:s7], [sflag:$0x7], $0x6000, $0x38;
	[tilespmem:$0x18000] =	vst v63  }
0x7f: {  	_ =	swait.ge [sflag:s20], $0x6000  }
0x80: {  	[sflag:s20] =	ssyncset.done $0x0  }
0x81: {  	[sflag:s20] =	ssyncadd.s32 $0xFFFFA000  }
0x82: {  	[hbm4b:s30+s2] =	stream.linear.scatter [tilespmem:s11], [sflag:$0x8], $0x6000, $0x38;
	[tilespmem:$0x18000] =	vst v63  }
0x83: {  	_ =	swait.ge [sflag:s14], $0x6000  }
0x84: {  	[sflag:s14] =	ssyncset.done $0x0  }
0x85: {  	[sflag:s14] =	ssyncadd.s32 $0xFFFFA000  }
0x86: {  	_ =	swait.ge [sflag:s18], $0x6000  }
0x87: {  	[sflag:s18] =	ssyncset.done $0x0  }
0x88: {  	[sflag:s18] =	ssyncadd.s32 $0xFFFFA000  }
.Ltmp1:
0x89: {  	_ =	swait.ge [sflag:s22], $0x6000;
	(pc) =	sbr.rel @p0 .LBB2_1-.Ltmp1, $4  }
0x8a: {  	[sflag:s22] =	ssyncset.done $0x0  }
0x8b: {  	[sflag:s22] =	ssyncadd.s32 $0xFFFFA000  }
0x8c: {  	_ =	swait.ge [sflag:s25], $0x6000  }
0x8d: {  	[sflag:s25] =	ssyncset.done $0x0  }
.LBB2_2:
0x8e: {  	[sflag:s25] =	ssyncadd.s32 $0xFFFFA000  }
0x8f: {  	_ =	sfence.sel $0x180000  }
0x90: {  	[bflag:$0x0] =	sbarrier.arrive $0xFFFF  }
0x91: {  	_ =	strace $0x90000047  }
0x92: {  	s0 =	stileid.u32;
	[bflag:$0x2] =	sbarrier.arrive $0xFFFF  }
0x93: {  	p0 =	sne.s32 s0, $0x0;
	s0 =	rddreg [dreg:$0x2]  }
0x94: {  	s0 =	sadd.s32 @!p0 $0x100000, s0  }
0x95: {  	[sflag:s0] =	ssyncadd.tile.s32 @!p0 $0x1;
	_ =	shalt  }
.Lfunc_end2:
_tile_overlayer_lowered:
.L_overlay_start_2:
0x96: {  	(tag) =	ssettag $0x2  }
0x97: {  	s0 =	rddreg [dreg:$0x0];
	s2 =	stileid.u32  }
0x98: {  	s1 =	rddreg [dreg:$0x1];
	p0 =	sne.s32 s2, $0x0  }
0x99: {  	s3 =	rddreg [dreg:$0x2];
	[bflag:$0x3] =	sbarrier.arrive $0xFFFF;
	s2 =	simm.s32 @!p0 $0x1C09  }
0x9a: {  	[timem:s3], [sflag:s2] =	dma.local @!p0 [hbm:s0], s1  }
0x9b: {  	s0 =	simm.s32 @!p0 $0x9  }
0x9c: {  	_ =	swait.ge @!p0 [sflag:s0], s1  }
0x9d: {  	s1 =	ssub.s32 @!p0 $0x0, s1;
	[sflag:s0] =	ssyncset.done @!p0 $0x0  }
0x9e: {  	[sflag:s0] =	ssyncadd.s32 @!p0 s1  }
0x9f: {  	[bflag:$0x3] =	sbarrier.arrive $0xFFFF  }
0xa0: {  	_ =	shalt  }

</sc_bundles>
